<compile_context>
chip_gen: v7x
topology: tpu7x:2x2x1
jax: 0.10.2.dev20260603
libtpu: 0.0.44.dev20260713+nightly
codegen_flags: <defaults>
</compile_context>

<pallas_src>
import functools

import jax
import jax.numpy as jnp
from jax import lax
from jax.experimental import pallas as pl
from jax.experimental.pallas import tpu as pltpu
from jax.experimental.pallas import tpu_sc as plsc

_N, _E, _F, _DE, _G = 10000, 320000, 128, 16, 64

_NC, _NS = 2, 16
_NW = _NC * _NS

_NSLICE = 1
_ESL = _E // _NSLICE
_EPW = _ESL // _NW
_CH = 80
_NCHUNK = _EPW // _CH
_DEPTH = 4

_BN = 2000
_BE = 2000
_NBN = _N // _BN
_NBE = _ESL // _BE


def _pack2(gate_f32, core_f32):
    glo = lax.bitcast_convert_type(
        gate_f32.astype(jnp.bfloat16), jnp.uint16).astype(jnp.uint32)
    chi = lax.bitcast_convert_type(
        core_f32.astype(jnp.bfloat16), jnp.uint16).astype(jnp.uint32)
    return lax.bitcast_convert_type((chi << 16) | glo, jnp.int32)


def _unpack_lo(w_u32):
    return lax.bitcast_convert_type(w_u32 << 16, jnp.float32)


def _unpack_hi(w_u32):
    return lax.bitcast_convert_type(w_u32 & jnp.uint32(0xFFFF0000), jnp.float32)



def _proj_body(x_ref, wd_ref, ws_ref, wo_ref, batch_ref, pd_ref, ps_ref, nb_ref):
    x = x_ref[...]
    pd = jnp.dot(x, wd_ref[...], preferred_element_type=jnp.float32)
    ps = jnp.dot(x, ws_ref[...], preferred_element_type=jnp.float32)
    pd_ref[...] = _pack2(pd[:, :_F], pd[:, _F:])
    ps_ref[...] = _pack2(ps[:, :_F], ps[:, _F:])
    xw = jnp.dot(x, wo_ref[...], preferred_element_type=jnp.float32)
    b = batch_ref[0, 0, :]
    onehot = (b[:, None] == lax.broadcasted_iota(jnp.int32, (1, _G), 1)
              ).astype(jnp.float32)
    part = lax.dot_general(xw, onehot, (((0,), (0,)), ((), ())),
                           precision=lax.Precision.HIGHEST,
                           preferred_element_type=jnp.float32)

    @pl.when(pl.program_id(0) == 0)
    def _():
        nb_ref[...] = jnp.zeros_like(nb_ref)

    nb_ref[...] += jnp.broadcast_to(part, nb_ref.shape)


def _proj_call(x_aug, wd_aug, ws_aug, wo_aug, batch3):
    return pl.pallas_call(
        _proj_body,
        grid=(_NBN,),
        in_specs=[
            pl.BlockSpec((_BN, _F + 1), lambda i: (i, 0)),
            pl.BlockSpec((_F + 1, 2 * _F), lambda i: (0, 0)),
            pl.BlockSpec((_F + 1, 2 * _F), lambda i: (0, 0)),
            pl.BlockSpec((_F + 1, 1), lambda i: (0, 0)),
            pl.BlockSpec((1, 1, _BN), lambda i: (i, 0, 0)),
        ],
        out_specs=[
            pl.BlockSpec((_BN, _F), lambda i: (i, 0)),
            pl.BlockSpec((_BN, _F), lambda i: (i, 0)),
            pl.BlockSpec((8, _G), lambda i: (0, 0)),
        ],
        out_shape=[
            jax.ShapeDtypeStruct((_N, _F), jnp.int32),
            jax.ShapeDtypeStruct((_N, _F), jnp.int32),
            jax.ShapeDtypeStruct((8, _G), jnp.float32),
        ],
    )(x_aug, wd_aug, ws_aug, wo_aug, batch3)



def _sc_gather_body(pd_hbm, ps_hbm, src_hbm, dst_hbm, batch_hbm,
                    ad_hbm, as_hbm, g_hbm, *scratch):
    wid = lax.axis_index("s") * _NC + lax.axis_index("c")
    base = wid * _EPW

    d = _DEPTH
    dstv = scratch[0:d]
    srcv = scratch[d:2 * d]
    gv = scratch[2 * d:3 * d]
    rd = scratch[3 * d:4 * d]
    rs = scratch[4 * d:5 * d]
    semi = scratch[5 * d:6 * d]
    semg = scratch[6 * d:7 * d]
    semw = scratch[7 * d:8 * d]

    def fire_idx(i, b):
        off = base + i * _CH
        pltpu.async_copy(dst_hbm.at[pl.ds(off, _CH)], dstv[b], semi[b])
        pltpu.async_copy(src_hbm.at[pl.ds(off, _CH)], srcv[b], semi[b])

    def fire_gathers(b):
        pltpu.make_async_copy(dst_hbm.at[pl.ds(base, _CH)], dstv[b],
                              semi[b]).wait()
        pltpu.make_async_copy(dst_hbm.at[pl.ds(base, _CH)], srcv[b],
                              semi[b]).wait()
        pltpu.async_copy(pd_hbm.at[dstv[b]], rd[b], semg[b])
        pltpu.async_copy(ps_hbm.at[srcv[b]], rs[b], semg[b])
        pltpu.async_copy(batch_hbm.at[dstv[b]], gv[b], semg[b])

    def drain_gathers(b):
        pltpu.make_async_copy(pd_hbm.at[pl.ds(0, _CH)], rd[b], semg[b]).wait()
        pltpu.make_async_copy(pd_hbm.at[pl.ds(0, _CH)], rs[b], semg[b]).wait()
        pltpu.make_async_copy(dst_hbm.at[pl.ds(0, _CH)], gv[b], semg[b]).wait()

    def write(i, b):
        off = base + i * _CH
        pltpu.async_copy(rd[b], ad_hbm.at[pl.ds(off, _CH)], semw[b])
        pltpu.async_copy(rs[b], as_hbm.at[pl.ds(off, _CH)], semw[b])
        pltpu.async_copy(gv[b], g_hbm.at[pl.ds(off, _CH)], semw[b])

    def drain_writes(b):
        pltpu.make_async_copy(rd[b], ad_hbm.at[pl.ds(base, _CH)], semw[b]).wait()
        pltpu.make_async_copy(rs[b], as_hbm.at[pl.ds(base, _CH)], semw[b]).wait()
        pltpu.make_async_copy(gv[b], g_hbm.at[pl.ds(base, _CH)], semw[b]).wait()

    for b in range(d):
        fire_idx(b, b)
        fire_gathers(b)

    iters = (_NCHUNK - d) // d

    def ring(j, carry):
        c0 = d * j
        for b in range(d):
            drain_gathers(b)
            write(c0 + b, b)
            fire_idx(c0 + b + d, b)
            drain_writes(b)
            fire_gathers(b)
        return carry

    lax.fori_loop(0, iters, ring, 0)
    outstanding = set()
    for i in range(d * iters, _NCHUNK):
        b = i % d
        drain_gathers(b)
        write(i, b)
        outstanding.add(b)
        nxt = i + d
        if nxt < _NCHUNK:
            fire_idx(nxt, b)
            drain_writes(b)
            outstanding.discard(b)
            fire_gathers(b)
    for b in sorted(outstanding):
        drain_writes(b)


def _sc_gather(pd, ps, src, dst, batch):
    mesh = plsc.VectorSubcoreMesh(
        core_axis_name="c", subcore_axis_name="s",
        num_cores=_NC, num_subcores=_NS)
    f = pl.kernel(
        _sc_gather_body,
        out_type=[
            jax.ShapeDtypeStruct((_ESL, _F), jnp.int32),
            jax.ShapeDtypeStruct((_ESL, _F), jnp.int32),
            jax.ShapeDtypeStruct((_ESL,), jnp.int32),
        ],
        mesh=mesh,
        scratch_types=(
            [pltpu.VMEM((_CH,), jnp.int32)] * (3 * _DEPTH)
            + [pltpu.VMEM((_CH, _F), jnp.int32)] * (2 * _DEPTH)
            + [pltpu.SemaphoreType.DMA] * (3 * _DEPTH)
        ),
    )
    return f(pd, ps, src, dst, batch)



def _edge_body(ad_ref, as_ref, ea_ref, g_ref, we_ref, wo_ref, eb_ref):
    q = jnp.dot(ea_ref[...], we_ref[...],
                preferred_element_type=jnp.float32)
    adu = lax.bitcast_convert_type(ad_ref[...], jnp.uint32)
    asu = lax.bitcast_convert_type(as_ref[...], jnp.uint32)
    tg = _unpack_lo(adu) + _unpack_lo(asu) + q[:, :_F]
    tc = _unpack_hi(adu) + _unpack_hi(asu) + q[:, _F:]
    gate = jax.nn.sigmoid(tg)
    core = jnp.maximum(tc, 0.0) + jnp.log1p(jnp.exp(-jnp.abs(tc)))
    s = jnp.dot(gate * core, wo_ref[...],
                preferred_element_type=jnp.float32)
    g = g_ref[0, 0, :]
    onehot = (g[:, None] == lax.broadcasted_iota(jnp.int32, (1, _G), 1)
              ).astype(jnp.float32)
    part = lax.dot_general(s, onehot, (((0,), (0,)), ((), ())),
                           precision=lax.Precision.HIGHEST,
                           preferred_element_type=jnp.float32)

    @pl.when(pl.program_id(0) == 0)
    def _():
        eb_ref[...] = jnp.zeros_like(eb_ref)

    eb_ref[...] += jnp.broadcast_to(part, eb_ref.shape)


def _edge_call(ad, as_, ea, g3, we, wo):
    return pl.pallas_call(
        _edge_body,
        grid=(_NBE,),
        in_specs=[
            pl.BlockSpec((_BE, _F), lambda i: (i, 0)),
            pl.BlockSpec((_BE, _F), lambda i: (i, 0)),
            pl.BlockSpec((_BE, _DE), lambda i: (i, 0)),
            pl.BlockSpec((1, 1, _BE), lambda i: (i, 0, 0)),
            pl.BlockSpec((_DE, 2 * _F), lambda i: (0, 0)),
            pl.BlockSpec((_F, 1), lambda i: (0, 0)),
        ],
        out_specs=pl.BlockSpec((8, _G), lambda i: (0, 0)),
        out_shape=jax.ShapeDtypeStruct((8, _G), jnp.float32),
    )(ad, as_, ea, g3, we, wo)



def kernel(x, edge_index, edge_attr, batch, W_f, b_f, W_s, b_s, W_out, b_out):
    f = _F
    src = edge_index[0]
    dst = edge_index[1]
    x_aug = jnp.concatenate([x, jnp.ones((_N, 1), jnp.float32)], axis=1)
    wd = jnp.concatenate([W_f[:f], W_s[:f]], axis=1)
    wsrc = jnp.concatenate([W_f[f:2 * f], W_s[f:2 * f]], axis=1)
    bcat = jnp.concatenate([b_f, b_s])[None, :]
    wd_aug = jnp.concatenate([wd, bcat], axis=0)
    wsrc_aug = jnp.concatenate(
        [wsrc, jnp.zeros((1, 2 * f), jnp.float32)], axis=0)
    wo_aug = jnp.concatenate([W_out, jnp.zeros((1, 1), jnp.float32)], axis=0)
    we = jnp.concatenate([W_f[2 * f:], W_s[2 * f:]], axis=1)

    batch3 = batch.reshape(_NBN, 1, _BN)
    pd, ps, nb = _proj_call(x_aug, wd_aug, wsrc_aug, wo_aug, batch3)

    pooled_w = nb[0]
    for s in range(_NSLICE):
        sl = slice(s * _ESL, (s + 1) * _ESL)
        ad, as_, g = _sc_gather(pd, ps, src[sl], dst[sl], batch)
        g3 = g.reshape(_NBE, 1, _BE)
        eb = _edge_call(ad, as_, edge_attr[sl], g3, we, W_out)
        pooled_w = pooled_w + eb[0]

    return pooled_w[:, None] + b_out[None, :]

# --- scband reference (transcript-rebuilt; emitter-appended) ---
"""Pipeline reference for scband-polyhedron-residual-model-62242666053928 (READ-ONLY COPY).

The authoritative reference and input builder live on the scoring server;
editing this copy changes nothing except your own understanding.
"""

import jax, jax.numpy as jnp
import numpy as np

N = 10000
E = 320000
F = 128
DE = 16
G = 64


def setup_inputs(seed: int = 0) -> dict:
    key = jax.random.key(seed)
    ks = jax.random.split(key, 10)
    x = jax.random.normal(ks[0], (N, F), dtype=jnp.float32)
    edge_index = jax.random.randint(ks[1], (2, E), 0, N, dtype=jnp.int32)
    edge_attr = jax.random.normal(ks[2], (E, DE), dtype=jnp.float32)
    batch = jnp.sort(jax.random.randint(ks[3], (N,), 0, G, dtype=jnp.int32))
    zdim = 2 * F + DE
    W_f = jax.random.normal(ks[4], (zdim, F), dtype=jnp.float32) * 0.02
    b_f = jnp.zeros((F,), dtype=jnp.float32)
    W_s = jax.random.normal(ks[5], (zdim, F), dtype=jnp.float32) * 0.02
    b_s = jnp.zeros((F,), dtype=jnp.float32)
    W_out = jax.random.normal(ks[6], (F, 1), dtype=jnp.float32) * 0.02
    b_out = jnp.zeros((1,), dtype=jnp.float32)
    return {
        'x': x, 'edge_index': edge_index, 'edge_attr': edge_attr, 'batch': batch,
        'W_f': W_f, 'b_f': b_f, 'W_s': W_s, 'b_s': b_s, 'W_out': W_out, 'b_out': b_out,
    }


def reference(x, edge_index, edge_attr, batch, W_f, b_f, W_s, b_s, W_out, b_out):
    # CGConv (aggr='add'): z_ij = [x_i || x_j || e_ij]
    # msg = sigmoid(z @ W_f + b_f) * softplus(z @ W_s + b_s)
    # out = x + segment_sum(msg, dst)
    src = edge_index[0]
    dst = edge_index[1]
    x_i = jnp.take(x, dst, axis=0)
    x_j = jnp.take(x, src, axis=0)
    z = jnp.concatenate([x_i, x_j, edge_attr], axis=1)
    gate = jax.nn.sigmoid(z @ W_f + b_f)
    core = jax.nn.softplus(z @ W_s + b_s)
    msg = gate * core
    agg = jax.ops.segment_sum(msg, dst, num_segments=x.shape[0])
    out = x + agg
    # global_add_pool over graphs in the batch
    pooled = jax.ops.segment_sum(out, batch, num_segments=G)
    # out_layer: Linear(F, 1)
    result = pooled @ W_out + b_out
    return result

if __name__ == "__main__":
    import jax
    _d = setup_inputs()
    print(jax.jit(kernel)(*tuple(_d.values())))

</pallas_src>

<mosaic_0001>
#map = affine_map<(d0, d1) -> (0, 0)>
#map1 = affine_map<(d0, d1) -> (0)>
module attributes {stable_mosaic.version = 14 : i64} {
  func.func @_sc_gather_body(%arg0: i32, %arg1: i32, %arg2: memref<10000x128xi32, #tpu.memory_space<hbm>>, %arg3: memref<10000x128xi32, #tpu.memory_space<hbm>>, %arg4: memref<320000xi32, #tpu.memory_space<hbm>>, %arg5: memref<320000xi32, #tpu.memory_space<hbm>>, %arg6: memref<10000xi32, #tpu.memory_space<hbm>>, %arg7: memref<320000x128xi32, #tpu.memory_space<hbm>>, %arg8: memref<320000x128xi32, #tpu.memory_space<hbm>>, %arg9: memref<320000xi32, #tpu.memory_space<hbm>>, %arg10: memref<80xi32, #tpu.memory_space<vmem>>, %arg11: memref<80xi32, #tpu.memory_space<vmem>>, %arg12: memref<80xi32, #tpu.memory_space<vmem>>, %arg13: memref<80xi32, #tpu.memory_space<vmem>>, %arg14: memref<80xi32, #tpu.memory_space<vmem>>, %arg15: memref<80xi32, #tpu.memory_space<vmem>>, %arg16: memref<80xi32, #tpu.memory_space<vmem>>, %arg17: memref<80xi32, #tpu.memory_space<vmem>>, %arg18: memref<80xi32, #tpu.memory_space<vmem>>, %arg19: memref<80xi32, #tpu.memory_space<vmem>>, %arg20: memref<80xi32, #tpu.memory_space<vmem>>, %arg21: memref<80xi32, #tpu.memory_space<vmem>>, %arg22: memref<80x128xi32, #tpu.memory_space<vmem>>, %arg23: memref<80x128xi32, #tpu.memory_space<vmem>>, %arg24: memref<80x128xi32, #tpu.memory_space<vmem>>, %arg25: memref<80x128xi32, #tpu.memory_space<vmem>>, %arg26: memref<80x128xi32, #tpu.memory_space<vmem>>, %arg27: memref<80x128xi32, #tpu.memory_space<vmem>>, %arg28: memref<80x128xi32, #tpu.memory_space<vmem>>, %arg29: memref<80x128xi32, #tpu.memory_space<vmem>>, %arg30: memref<!tpu.dma_semaphore, #tpu.memory_space<semaphore_mem>>, %arg31: memref<!tpu.dma_semaphore, #tpu.memory_space<semaphore_mem>>, %arg32: memref<!tpu.dma_semaphore, #tpu.memory_space<semaphore_mem>>, %arg33: memref<!tpu.dma_semaphore, #tpu.memory_space<semaphore_mem>>, %arg34: memref<!tpu.dma_semaphore, #tpu.memory_space<semaphore_mem>>, %arg35: memref<!tpu.dma_semaphore, #tpu.memory_space<semaphore_mem>>, %arg36: memref<!tpu.dma_semaphore, #tpu.memory_space<semaphore_mem>>, %arg37: memref<!tpu.dma_semaphore, #tpu.memory_space<semaphore_mem>>, %arg38: memref<!tpu.dma_semaphore, #tpu.memory_space<semaphore_mem>>, %arg39: memref<!tpu.dma_semaphore, #tpu.memory_space<semaphore_mem>>, %arg40: memref<!tpu.dma_semaphore, #tpu.memory_space<semaphore_mem>>, %arg41: memref<!tpu.dma_semaphore, #tpu.memory_space<semaphore_mem>>) attributes {dimension_semantics = [#tpu.dimension_semantics<core_parallel>, #tpu.dimension_semantics<subcore_parallel>], iteration_bounds = array<i64: 2, 16>, scalar_prefetch = 0 : i64, scratch_operands = 32 : i64, tpu.core_type = #tpu.core_type<sc_vector_subcore>, window_params = [{transform_indices = #map}, {transform_indices = #map}, {transform_indices = #map1}, {transform_indices = #map1}, {transform_indices = #map1}, {transform_indices = #map}, {transform_indices = #map}, {transform_indices = #map1}]} {
    %mul3A = arith.constant 2 : i32
    %mul3A_0 = arith.muli %arg1, %mul3A : i32
    %add3A = arith.addi %mul3A_0, %arg0 : i32
    %mul3A_1 = arith.constant 10000 : i32
    %mul3A_2 = arith.muli %add3A, %mul3A_1 : i32
    %add3A_3 = arith.constant 0 : i32
    %add3A_4 = arith.addi %mul3A_2, %add3A_3 : i32
    %dma_start3A = tpu.memref_slice %arg5[%add3A_4] : memref<320000xi32, #tpu.memory_space<hbm>> -> memref<80xi32, #tpu.memory_space<hbm>>
    %dma_start3A_5 = tpu.memref_slice %arg5[%add3A_4] : memref<320000xi32, #tpu.memory_space<hbm>> -> memref<80xi32, #tpu.memory_space<hbm>>
    tpu.enqueue_dma source(%dma_start3A_5 : memref<80xi32, #tpu.memory_space<hbm>>) target(%arg10 : memref<80xi32, #tpu.memory_space<vmem>>) target_semaphore(%arg30 : memref<!tpu.dma_semaphore, #tpu.memory_space<semaphore_mem>>)
    %dma_start3A_6 = tpu.memref_slice %arg4[%add3A_4] : memref<320000xi32, #tpu.memory_space<hbm>> -> memref<80xi32, #tpu.memory_space<hbm>>
    %dma_start3A_7 = tpu.memref_slice %arg4[%add3A_4] : memref<320000xi32, #tpu.memory_space<hbm>> -> memref<80xi32, #tpu.memory_space<hbm>>
    tpu.enqueue_dma source(%dma_start3A_7 : memref<80xi32, #tpu.memory_space<hbm>>) target(%arg14 : memref<80xi32, #tpu.memory_space<vmem>>) target_semaphore(%arg30 : memref<!tpu.dma_semaphore, #tpu.memory_space<semaphore_mem>>)
    %dma_wait3A = tpu.memref_slice %arg5[%mul3A_2] : memref<320000xi32, #tpu.memory_space<hbm>> -> memref<80xi32, #tpu.memory_space<hbm>>
    %dma_wait3A_8 = tpu.memref_slice %arg5[%mul3A_2] : memref<320000xi32, #tpu.memory_space<hbm>> -> memref<80xi32, #tpu.memory_space<hbm>>
    tpu.wait_dma2 semaphore(%arg30 : memref<!tpu.dma_semaphore, #tpu.memory_space<semaphore_mem>>) src(%dma_wait3A_8 : memref<80xi32, #tpu.memory_space<hbm>>) dst(%arg10 : memref<80xi32, #tpu.memory_space<vmem>>)
    %dma_wait3A_9 = tpu.memref_slice %arg5[%mul3A_2] : memref<320000xi32, #tpu.memory_space<hbm>> -> memref<80xi32, #tpu.memory_space<hbm>>
    %dma_wait3A_10 = tpu.memref_slice %arg5[%mul3A_2] : memref<320000xi32, #tpu.memory_space<hbm>> -> memref<80xi32, #tpu.memory_space<hbm>>
    tpu.wait_dma2 semaphore(%arg30 : memref<!tpu.dma_semaphore, #tpu.memory_space<semaphore_mem>>) src(%dma_wait3A_10 : memref<80xi32, #tpu.memory_space<hbm>>) dst(%arg14 : memref<80xi32, #tpu.memory_space<vmem>>)
    %dma_start3A_11 = arith.constant 0 : i32
    %dma_start3A_12 = arith.constant 0 : i32
    %dma_start3A_13 = tpu.memref_slice %arg2[%dma_start3A_11, %dma_start3A_12] : memref<10000x128xi32, #tpu.memory_space<hbm>> -> memref<10000x128xi32, #tpu.memory_space<hbm>>
    tpu.enqueue_indirect_dma source(%dma_start3A_13 : memref<10000x128xi32, #tpu.memory_space<hbm>>) target(%arg22 : memref<80x128xi32, #tpu.memory_space<vmem>>) offsets(%arg10 : memref<80xi32, #tpu.memory_space<vmem>>) semaphore(%arg34 : memref<!tpu.dma_semaphore, #tpu.memory_space<semaphore_mem>>)
    %dma_start3A_14 = arith.constant 0 : i32
    %dma_start3A_15 = arith.constant 0 : i32
    %dma_start3A_16 = tpu.memref_slice %arg3[%dma_start3A_14, %dma_start3A_15] : memref<10000x128xi32, #tpu.memory_space<hbm>> -> memref<10000x128xi32, #tpu.memory_space<hbm>>
    tpu.enqueue_indirect_dma source(%dma_start3A_16 : memref<10000x128xi32, #tpu.memory_space<hbm>>) target(%arg26 : memref<80x128xi32, #tpu.memory_space<vmem>>) offsets(%arg14 : memref<80xi32, #tpu.memory_space<vmem>>) semaphore(%arg34 : memref<!tpu.dma_semaphore, #tpu.memory_space<semaphore_mem>>)
    %dma_start3A_17 = arith.constant 0 : i32
    %dma_start3A_18 = tpu.memref_slice %arg6[%dma_start3A_17] : memref<10000xi32, #tpu.memory_space<hbm>> -> memref<10000xi32, #tpu.memory_space<hbm>>
    tpu.enqueue_indirect_dma source(%dma_start3A_18 : memref<10000xi32, #tpu.memory_space<hbm>>) target(%arg18 : memref<80xi32, #tpu.memory_space<vmem>>) offsets(%arg10 : memref<80xi32, #tpu.memory_space<vmem>>) semaphore(%arg34 : memref<!tpu.dma_semaphore, #tpu.memory_space<semaphore_mem>>)
    %add3A_19 = arith.constant 80 : i32
    %add3A_20 = arith.addi %mul3A_2, %add3A_19 : i32
    %dma_start3A_21 = tpu.memref_slice %arg5[%add3A_20] : memref<320000xi32, #tpu.memory_space<hbm>> -> memref<80xi32, #tpu.memory_space<hbm>>
    %dma_start3A_22 = tpu.memref_slice %arg5[%add3A_20] : memref<320000xi32, #tpu.memory_space<hbm>> -> memref<80xi32, #tpu.memory_space<hbm>>
    tpu.enqueue_dma source(%dma_start3A_22 : memref<80xi32, #tpu.memory_space<hbm>>) target(%arg11 : memref<80xi32, #tpu.memory_space<vmem>>) target_semaphore(%arg31 : memref<!tpu.dma_semaphore, #tpu.memory_space<semaphore_mem>>)
    %dma_start3A_23 = tpu.memref_slice %arg4[%add3A_20] : memref<320000xi32, #tpu.memory_space<hbm>> -> memref<80xi32, #tpu.memory_space<hbm>>
    %dma_start3A_24 = tpu.memref_slice %arg4[%add3A_20] : memref<320000xi32, #tpu.memory_space<hbm>> -> memref<80xi32, #tpu.memory_space<hbm>>
    tpu.enqueue_dma source(%dma_start3A_24 : memref<80xi32, #tpu.memory_space<hbm>>) target(%arg15 : memref<80xi32, #tpu.memory_space<vmem>>) target_semaphore(%arg31 : memref<!tpu.dma_semaphore, #tpu.memory_space<semaphore_mem>>)
    %dma_wait3A_25 = tpu.memref_slice %arg5[%mul3A_2] : memref<320000xi32, #tpu.memory_space<hbm>> -> memref<80xi32, #tpu.memory_space<hbm>>
    %dma_wait3A_26 = tpu.memref_slice %arg5[%mul3A_2] : memref<320000xi32, #tpu.memory_space<hbm>> -> memref<80xi32, #tpu.memory_space<hbm>>
    tpu.wait_dma2 semaphore(%arg31 : memref<!tpu.dma_semaphore, #tpu.memory_space<semaphore_mem>>) src(%dma_wait3A_26 : memref<80xi32, #tpu.memory_space<hbm>>) dst(%arg11 : memref<80xi32, #tpu.memory_space<vmem>>)
    %dma_wait3A_27 = tpu.memref_slice %arg5[%mul3A_2] : memref<320000xi32, #tpu.memory_space<hbm>> -> memref<80xi32, #tpu.memory_space<hbm>>
    %dma_wait3A_28 = tpu.memref_slice %arg5[%mul3A_2] : memref<320000xi32, #tpu.memory_space<hbm>> -> memref<80xi32, #tpu.memory_space<hbm>>
    tpu.wait_dma2 semaphore(%arg31 : memref<!tpu.dma_semaphore, #tpu.memory_space<semaphore_mem>>) src(%dma_wait3A_28 : memref<80xi32, #tpu.memory_space<hbm>>) dst(%arg15 : memref<80xi32, #tpu.memory_space<vmem>>)
    %dma_start3A_29 = arith.constant 0 : i32
    %dma_start3A_30 = arith.constant 0 : i32
    %dma_start3A_31 = tpu.memref_slice %arg2[%dma_start3A_29, %dma_start3A_30] : memref<10000x128xi32, #tpu.memory_space<hbm>> -> memref<10000x128xi32, #tpu.memory_space<hbm>>
    tpu.enqueue_indirect_dma source(%dma_start3A_31 : memref<10000x128xi32, #tpu.memory_space<hbm>>) target(%arg23 : memref<80x128xi32, #tpu.memory_space<vmem>>) offsets(%arg11 : memref<80xi32, #tpu.memory_space<vmem>>) semaphore(%arg35 : memref<!tpu.dma_semaphore, #tpu.memory_space<semaphore_mem>>)
    %dma_start3A_32 = arith.constant 0 : i32
    %dma_start3A_33 = arith.constant 0 : i32
    %dma_start3A_34 = tpu.memref_slice %arg3[%dma_start3A_32, %dma_start3A_33] : memref<10000x128xi32, #tpu.memory_space<hbm>> -> memref<10000x128xi32, #tpu.memory_space<hbm>>
    tpu.enqueue_indirect_dma source(%dma_start3A_34 : memref<10000x128xi32, #tpu.memory_space<hbm>>) target(%arg27 : memref<80x128xi32, #tpu.memory_space<vmem>>) offsets(%arg15 : memref<80xi32, #tpu.memory_space<vmem>>) semaphore(%arg35 : memref<!tpu.dma_semaphore, #tpu.memory_space<semaphore_mem>>)
    %dma_start3A_35 = arith.constant 0 : i32
    %dma_start3A_36 = tpu.memref_slice %arg6[%dma_start3A_35] : memref<10000xi32, #tpu.memory_space<hbm>> -> memref<10000xi32, #tpu.memory_space<hbm>>
    tpu.enqueue_indirect_dma source(%dma_start3A_36 : memref<10000xi32, #tpu.memory_space<hbm>>) target(%arg19 : memref<80xi32, #tpu.memory_space<vmem>>) offsets(%arg11 : memref<80xi32, #tpu.memory_space<vmem>>) semaphore(%arg35 : memref<!tpu.dma_semaphore, #tpu.memory_space<semaphore_mem>>)
    %add3A_37 = arith.constant 160 : i32
    %add3A_38 = arith.addi %mul3A_2, %add3A_37 : i32
    %dma_start3A_39 = tpu.memref_slice %arg5[%add3A_38] : memref<320000xi32, #tpu.memory_space<hbm>> -> memref<80xi32, #tpu.memory_space<hbm>>
    %dma_start3A_40 = tpu.memref_slice %arg5[%add3A_38] : memref<320000xi32, #tpu.memory_space<hbm>> -> memref<80xi32, #tpu.memory_space<hbm>>
    tpu.enqueue_dma source(%dma_start3A_40 : memref<80xi32, #tpu.memory_space<hbm>>) target(%arg12 : memref<80xi32, #tpu.memory_space<vmem>>) target_semaphore(%arg32 : memref<!tpu.dma_semaphore, #tpu.memory_space<semaphore_mem>>)
    %dma_start3A_41 = tpu.memref_slice %arg4[%add3A_38] : memref<320000xi32, #tpu.memory_space<hbm>> -> memref<80xi32, #tpu.memory_space<hbm>>
    %dma_start3A_42 = tpu.memref_slice %arg4[%add3A_38] : memref<320000xi32, #tpu.memory_space<hbm>> -> memref<80xi32, #tpu.memory_space<hbm>>
    tpu.enqueue_dma source(%dma_start3A_42 : memref<80xi32, #tpu.memory_space<hbm>>) target(%arg16 : memref<80xi32, #tpu.memory_space<vmem>>) target_semaphore(%arg32 : memref<!tpu.dma_semaphore, #tpu.memory_space<semaphore_mem>>)
    %dma_wait3A_43 = tpu.memref_slice %arg5[%mul3A_2] : memref<320000xi32, #tpu.memory_space<hbm>> -> memref<80xi32, #tpu.memory_space<hbm>>
    %dma_wait3A_44 = tpu.memref_slice %arg5[%mul3A_2] : memref<320000xi32, #tpu.memory_space<hbm>> -> memref<80xi32, #tpu.memory_space<hbm>>
    tpu.wait_dma2 semaphore(%arg32 : memref<!tpu.dma_semaphore, #tpu.memory_space<semaphore_mem>>) src(%dma_wait3A_44 : memref<80xi32, #tpu.memory_space<hbm>>) dst(%arg12 : memref<80xi32, #tpu.memory_space<vmem>>)
    %dma_wait3A_45 = tpu.memref_slice %arg5[%mul3A_2] : memref<320000xi32, #tpu.memory_space<hbm>> -> memref<80xi32, #tpu.memory_space<hbm>>
    %dma_wait3A_46 = tpu.memref_slice %arg5[%mul3A_2] : memref<320000xi32, #tpu.memory_space<hbm>> -> memref<80xi32, #tpu.memory_space<hbm>>
    tpu.wait_dma2 semaphore(%arg32 : memref<!tpu.dma_semaphore, #tpu.memory_space<semaphore_mem>>) src(%dma_wait3A_46 : memref<80xi32, #tpu.memory_space<hbm>>) dst(%arg16 : memref<80xi32, #tpu.memory_space<vmem>>)
    %dma_start3A_47 = arith.constant 0 : i32
    %dma_start3A_48 = arith.constant 0 : i32
    %dma_start3A_49 = tpu.memref_slice %arg2[%dma_start3A_47, %dma_start3A_48] : memref<10000x128xi32, #tpu.memory_space<hbm>> -> memref<10000x128xi32, #tpu.memory_space<hbm>>
    tpu.enqueue_indirect_dma source(%dma_start3A_49 : memref<10000x128xi32, #tpu.memory_space<hbm>>) target(%arg24 : memref<80x128xi32, #tpu.memory_space<vmem>>) offsets(%arg12 : memref<80xi32, #tpu.memory_space<vmem>>) semaphore(%arg36 : memref<!tpu.dma_semaphore, #tpu.memory_space<semaphore_mem>>)
    %dma_start3A_50 = arith.constant 0 : i32
    %dma_start3A_51 = arith.constant 0 : i32
    %dma_start3A_52 = tpu.memref_slice %arg3[%dma_start3A_50, %dma_start3A_51] : memref<10000x128xi32, #tpu.memory_space<hbm>> -> memref<10000x128xi32, #tpu.memory_space<hbm>>
    tpu.enqueue_indirect_dma source(%dma_start3A_52 : memref<10000x128xi32, #tpu.memory_space<hbm>>) target(%arg28 : memref<80x128xi32, #tpu.memory_space<vmem>>) offsets(%arg16 : memref<80xi32, #tpu.memory_space<vmem>>) semaphore(%arg36 : memref<!tpu.dma_semaphore, #tpu.memory_space<semaphore_mem>>)
    %dma_start3A_53 = arith.constant 0 : i32
    %dma_start3A_54 = tpu.memref_slice %arg6[%dma_start3A_53] : memref<10000xi32, #tpu.memory_space<hbm>> -> memref<10000xi32, #tpu.memory_space<hbm>>
    tpu.enqueue_indirect_dma source(%dma_start3A_54 : memref<10000xi32, #tpu.memory_space<hbm>>) target(%arg20 : memref<80xi32, #tpu.memory_space<vmem>>) offsets(%arg12 : memref<80xi32, #tpu.memory_space<vmem>>) semaphore(%arg36 : memref<!tpu.dma_semaphore, #tpu.memory_space<semaphore_mem>>)
    %add3A_55 = arith.constant 240 : i32
    %add3A_56 = arith.addi %mul3A_2, %add3A_55 : i32
    %dma_start3A_57 = tpu.memref_slice %arg5[%add3A_56] : memref<320000xi32, #tpu.memory_space<hbm>> -> memref<80xi32, #tpu.memory_space<hbm>>
    %dma_start3A_58 = tpu.memref_slice %arg5[%add3A_56] : memref<320000xi32, #tpu.memory_space<hbm>> -> memref<80xi32, #tpu.memory_space<hbm>>
    tpu.enqueue_dma source(%dma_start3A_58 : memref<80xi32, #tpu.memory_space<hbm>>) target(%arg13 : memref<80xi32, #tpu.memory_space<vmem>>) target_semaphore(%arg33 : memref<!tpu.dma_semaphore, #tpu.memory_space<semaphore_mem>>)
    %dma_start3A_59 = tpu.memref_slice %arg4[%add3A_56] : memref<320000xi32, #tpu.memory_space<hbm>> -> memref<80xi32, #tpu.memory_space<hbm>>
    %dma_start3A_60 = tpu.memref_slice %arg4[%add3A_56] : memref<320000xi32, #tpu.memory_space<hbm>> -> memref<80xi32, #tpu.memory_space<hbm>>
    tpu.enqueue_dma source(%dma_start3A_60 : memref<80xi32, #tpu.memory_space<hbm>>) target(%arg17 : memref<80xi32, #tpu.memory_space<vmem>>) target_semaphore(%arg33 : memref<!tpu.dma_semaphore, #tpu.memory_space<semaphore_mem>>)
    %dma_wait3A_61 = tpu.memref_slice %arg5[%mul3A_2] : memref<320000xi32, #tpu.memory_space<hbm>> -> memref<80xi32, #tpu.memory_space<hbm>>
    %dma_wait3A_62 = tpu.memref_slice %arg5[%mul3A_2] : memref<320000xi32, #tpu.memory_space<hbm>> -> memref<80xi32, #tpu.memory_space<hbm>>
    tpu.wait_dma2 semaphore(%arg33 : memref<!tpu.dma_semaphore, #tpu.memory_space<semaphore_mem>>) src(%dma_wait3A_62 : memref<80xi32, #tpu.memory_space<hbm>>) dst(%arg13 : memref<80xi32, #tpu.memory_space<vmem>>)
    %dma_wait3A_63 = tpu.memref_slice %arg5[%mul3A_2] : memref<320000xi32, #tpu.memory_space<hbm>> -> memref<80xi32, #tpu.memory_space<hbm>>
    %dma_wait3A_64 = tpu.memref_slice %arg5[%mul3A_2] : memref<320000xi32, #tpu.memory_space<hbm>> -> memref<80xi32, #tpu.memory_space<hbm>>
    tpu.wait_dma2 semaphore(%arg33 : memref<!tpu.dma_semaphore, #tpu.memory_space<semaphore_mem>>) src(%dma_wait3A_64 : memref<80xi32, #tpu.memory_space<hbm>>) dst(%arg17 : memref<80xi32, #tpu.memory_space<vmem>>)
    %dma_start3A_65 = arith.constant 0 : i32
    %dma_start3A_66 = arith.constant 0 : i32
    %dma_start3A_67 = tpu.memref_slice %arg2[%dma_start3A_65, %dma_start3A_66] : memref<10000x128xi32, #tpu.memory_space<hbm>> -> memref<10000x128xi32, #tpu.memory_space<hbm>>
    tpu.enqueue_indirect_dma source(%dma_start3A_67 : memref<10000x128xi32, #tpu.memory_space<hbm>>) target(%arg25 : memref<80x128xi32, #tpu.memory_space<vmem>>) offsets(%arg13 : memref<80xi32, #tpu.memory_space<vmem>>) semaphore(%arg37 : memref<!tpu.dma_semaphore, #tpu.memory_space<semaphore_mem>>)
    %dma_start3A_68 = arith.constant 0 : i32
    %dma_start3A_69 = arith.constant 0 : i32
    %dma_start3A_70 = tpu.memref_slice %arg3[%dma_start3A_68, %dma_start3A_69] : memref<10000x128xi32, #tpu.memory_space<hbm>> -> memref<10000x128xi32, #tpu.memory_space<hbm>>
    tpu.enqueue_indirect_dma source(%dma_start3A_70 : memref<10000x128xi32, #tpu.memory_space<hbm>>) target(%arg29 : memref<80x128xi32, #tpu.memory_space<vmem>>) offsets(%arg17 : memref<80xi32, #tpu.memory_space<vmem>>) semaphore(%arg37 : memref<!tpu.dma_semaphore, #tpu.memory_space<semaphore_mem>>)
    %dma_start3A_71 = arith.constant 0 : i32
    %dma_start3A_72 = tpu.memref_slice %arg6[%dma_start3A_71] : memref<10000xi32, #tpu.memory_space<hbm>> -> memref<10000xi32, #tpu.memory_space<hbm>>
    tpu.enqueue_indirect_dma source(%dma_start3A_72 : memref<10000xi32, #tpu.memory_space<hbm>>) target(%arg21 : memref<80xi32, #tpu.memory_space<vmem>>) offsets(%arg13 : memref<80xi32, #tpu.memory_space<vmem>>) semaphore(%arg37 : memref<!tpu.dma_semaphore, #tpu.memory_space<semaphore_mem>>)
    %scan3A = arith.constant 0 : i32
    %scan3A_73 = arith.constant 0 : i32
    %scan3A_74 = arith.constant 30 : i32
    %scan3A_75 = arith.addi %scan3A_73, %scan3A_74 : i32
    %scan3A_76 = arith.constant 1 : i32
    scf.for %scan3A_286 = %scan3A_73 to %scan3A_75 step %scan3A_76  : i32 {
      %mul3A_287 = arith.constant 4 : i32
      %mul3A_288 = arith.muli %mul3A_287, %scan3A_286 : i32
      %dma_wait3A_289 = arith.constant 0 : i32
      %dma_wait3A_290 = arith.constant 0 : i32
      %dma_wait3A_291 = tpu.memref_slice %arg2[%dma_wait3A_289, %dma_wait3A_290] : memref<10000x128xi32, #tpu.memory_space<hbm>> -> memref<80x128xi32, #tpu.memory_space<hbm>>
      %dma_wait3A_292 = arith.constant 0 : i32
      %dma_wait3A_293 = arith.constant 0 : i32
      %dma_wait3A_294 = tpu.memref_slice %arg2[%dma_wait3A_292, %dma_wait3A_293] : memref<10000x128xi32, #tpu.memory_space<hbm>> -> memref<80x128xi32, #tpu.memory_space<hbm>>
      tpu.wait_dma2 semaphore(%arg34 : memref<!tpu.dma_semaphore, #tpu.memory_space<semaphore_mem>>) src(%dma_wait3A_294 : memref<80x128xi32, #tpu.memory_space<hbm>>) dst(%arg22 : memref<80x128xi32, #tpu.memory_space<vmem>>)
      %dma_wait3A_295 = arith.constant 0 : i32
      %dma_wait3A_296 = arith.constant 0 : i32
      %dma_wait3A_297 = tpu.memref_slice %arg2[%dma_wait3A_295, %dma_wait3A_296] : memref<10000x128xi32, #tpu.memory_space<hbm>> -> memref<80x128xi32, #tpu.memory_space<hbm>>
      %dma_wait3A_298 = arith.constant 0 : i32
      %dma_wait3A_299 = arith.constant 0 : i32
      %dma_wait3A_300 = tpu.memref_slice %arg2[%dma_wait3A_298, %dma_wait3A_299] : memref<10000x128xi32, #tpu.memory_space<hbm>> -> memref<80x128xi32, #tpu.memory_space<hbm>>
      tpu.wait_dma2 semaphore(%arg34 : memref<!tpu.dma_semaphore, #tpu.memory_space<semaphore_mem>>) src(%dma_wait3A_300 : memref<80x128xi32, #tpu.memory_space<hbm>>) dst(%arg26 : memref<80x128xi32, #tpu.memory_space<vmem>>)
      %dma_wait3A_301 = arith.constant 0 : i32
      %dma_wait3A_302 = tpu.memref_slice %arg5[%dma_wait3A_301] : memref<320000xi32, #tpu.memory_space<hbm>> -> memref<80xi32, #tpu.memory_space<hbm>>
      %dma_wait3A_303 = arith.constant 0 : i32
      %dma_wait3A_304 = tpu.memref_slice %arg5[%dma_wait3A_303] : memref<320000xi32, #tpu.memory_space<hbm>> -> memref<80xi32, #tpu.memory_space<hbm>>
      tpu.wait_dma2 semaphore(%arg34 : memref<!tpu.dma_semaphore, #tpu.memory_space<semaphore_mem>>) src(%dma_wait3A_304 : memref<80xi32, #tpu.memory_space<hbm>>) dst(%arg18 : memref<80xi32, #tpu.memory_space<vmem>>)
      %add3A_305 = arith.constant 0 : i32
      %add3A_306 = arith.addi %mul3A_288, %add3A_305 : i32
      %mul3A_307 = arith.constant 80 : i32
      %mul3A_308 = arith.muli %add3A_306, %mul3A_307 : i32
      %add3A_309 = arith.addi %mul3A_2, %mul3A_308 : i32
      %dma_start3A_310 = arith.constant 0 : i32
      %dma_start3A_311 = tpu.memref_slice %arg7[%add3A_309, %dma_start3A_310] : memref<320000x128xi32, #tpu.memory_space<hbm>> -> memref<80x128xi32, #tpu.memory_space<hbm>>
      %dma_start3A_312 = arith.constant 0 : i32
      %dma_start3A_313 = tpu.memref_slice %arg7[%add3A_309, %dma_start3A_312] : memref<320000x128xi32, #tpu.memory_space<hbm>> -> memref<80x128xi32, #tpu.memory_space<hbm>>
      tpu.enqueue_dma source(%arg22 : memref<80x128xi32, #tpu.memory_space<vmem>>) target(%dma_start3A_313 : memref<80x128xi32, #tpu.memory_space<hbm>>) target_semaphore(%arg38 : memref<!tpu.dma_semaphore, #tpu.memory_space<semaphore_mem>>)
      %dma_start3A_314 = arith.constant 0 : i32
      %dma_start3A_315 = tpu.memref_slice %arg8[%add3A_309, %dma_start3A_314] : memref<320000x128xi32, #tpu.memory_space<hbm>> -> memref<80x128xi32, #tpu.memory_space<hbm>>
      %dma_start3A_316 = arith.constant 0 : i32
      %dma_start3A_317 = tpu.memref_slice %arg8[%add3A_309, %dma_start3A_316] : memref<320000x128xi32, #tpu.memory_space<hbm>> -> memref<80x128xi32, #tpu.memory_space<hbm>>
      tpu.enqueue_dma source(%arg26 : memref<80x128xi32, #tpu.memory_space<vmem>>) target(%dma_start3A_317 : memref<80x128xi32, #tpu.memory_space<hbm>>) target_semaphore(%arg38 : memref<!tpu.dma_semaphore, #tpu.memory_space<semaphore_mem>>)
      %dma_start3A_318 = tpu.memref_slice %arg9[%add3A_309] : memref<320000xi32, #tpu.memory_space<hbm>> -> memref<80xi32, #tpu.memory_space<hbm>>
      %dma_start3A_319 = tpu.memref_slice %arg9[%add3A_309] : memref<320000xi32, #tpu.memory_space<hbm>> -> memref<80xi32, #tpu.memory_space<hbm>>
      tpu.enqueue_dma source(%arg18 : memref<80xi32, #tpu.memory_space<vmem>>) target(%dma_start3A_319 : memref<80xi32, #tpu.memory_space<hbm>>) target_semaphore(%arg38 : memref<!tpu.dma_semaphore, #tpu.memory_space<semaphore_mem>>)
      %add3A_320 = arith.constant 0 : i32
      %add3A_321 = arith.addi %mul3A_288, %add3A_320 : i32
      %add3A_322 = arith.constant 4 : i32
      %add3A_323 = arith.addi %add3A_321, %add3A_322 : i32
      %mul3A_324 = arith.constant 80 : i32
      %mul3A_325 = arith.muli %add3A_323, %mul3A_324 : i32
      %add3A_326 = arith.addi %mul3A_2, %mul3A_325 : i32
      %dma_start3A_327 = tpu.memref_slice %arg5[%add3A_326] : memref<320000xi32, #tpu.memory_space<hbm>> -> memref<80xi32, #tpu.memory_space<hbm>>
      %dma_start3A_328 = tpu.memref_slice %arg5[%add3A_326] : memref<320000xi32, #tpu.memory_space<hbm>> -> memref<80xi32, #tpu.memory_space<hbm>>
      tpu.enqueue_dma source(%dma_start3A_328 : memref<80xi32, #tpu.memory_space<hbm>>) target(%arg10 : memref<80xi32, #tpu.memory_space<vmem>>) target_semaphore(%arg30 : memref<!tpu.dma_semaphore, #tpu.memory_space<semaphore_mem>>)
      %dma_start3A_329 = tpu.memref_slice %arg4[%add3A_326] : memref<320000xi32, #tpu.memory_space<hbm>> -> memref<80xi32, #tpu.memory_space<hbm>>
      %dma_start3A_330 = tpu.memref_slice %arg4[%add3A_326] : memref<320000xi32, #tpu.memory_space<hbm>> -> memref<80xi32, #tpu.memory_space<hbm>>
      tpu.enqueue_dma source(%dma_start3A_330 : memref<80xi32, #tpu.memory_space<hbm>>) target(%arg14 : memref<80xi32, #tpu.memory_space<vmem>>) target_semaphore(%arg30 : memref<!tpu.dma_semaphore, #tpu.memory_space<semaphore_mem>>)
      %dma_wait3A_331 = arith.constant 0 : i32
      %dma_wait3A_332 = tpu.memref_slice %arg7[%mul3A_2, %dma_wait3A_331] : memref<320000x128xi32, #tpu.memory_space<hbm>> -> memref<80x128xi32, #tpu.memory_space<hbm>>
      %dma_wait3A_333 = arith.constant 0 : i32
      %dma_wait3A_334 = tpu.memref_slice %arg7[%mul3A_2, %dma_wait3A_333] : memref<320000x128xi32, #tpu.memory_space<hbm>> -> memref<80x128xi32, #tpu.memory_space<hbm>>
      tpu.wait_dma2 semaphore(%arg38 : memref<!tpu.dma_semaphore, #tpu.memory_space<semaphore_mem>>) src(%arg22 : memref<80x128xi32, #tpu.memory_space<vmem>>) dst(%dma_wait3A_334 : memref<80x128xi32, #tpu.memory_space<hbm>>)
      %dma_wait3A_335 = arith.constant 0 : i32
      %dma_wait3A_336 = tpu.memref_slice %arg8[%mul3A_2, %dma_wait3A_335] : memref<320000x128xi32, #tpu.memory_space<hbm>> -> memref<80x128xi32, #tpu.memory_space<hbm>>
      %dma_wait3A_337 = arith.constant 0 : i32
      %dma_wait3A_338 = tpu.memref_slice %arg8[%mul3A_2, %dma_wait3A_337] : memref<320000x128xi32, #tpu.memory_space<hbm>> -> memref<80x128xi32, #tpu.memory_space<hbm>>
      tpu.wait_dma2 semaphore(%arg38 : memref<!tpu.dma_semaphore, #tpu.memory_space<semaphore_mem>>) src(%arg26 : memref<80x128xi32, #tpu.memory_space<vmem>>) dst(%dma_wait3A_338 : memref<80x128xi32, #tpu.memory_space<hbm>>)
      %dma_wait3A_339 = tpu.memref_slice %arg9[%mul3A_2] : memref<320000xi32, #tpu.memory_space<hbm>> -> memref<80xi32, #tpu.memory_space<hbm>>
      %dma_wait3A_340 = tpu.memref_slice %arg9[%mul3A_2] : memref<320000xi32, #tpu.memory_space<hbm>> -> memref<80xi32, #tpu.memory_space<hbm>>
      tpu.wait_dma2 semaphore(%arg38 : memref<!tpu.dma_semaphore, #tpu.memory_space<semaphore_mem>>) src(%arg18 : memref<80xi32, #tpu.memory_space<vmem>>) dst(%dma_wait3A_340 : memref<80xi32, #tpu.memory_space<hbm>>)
      %dma_wait3A_341 = tpu.memref_slice %arg5[%mul3A_2] : memref<320000xi32, #tpu.memory_space<hbm>> -> memref<80xi32, #tpu.memory_space<hbm>>
      %dma_wait3A_342 = tpu.memref_slice %arg5[%mul3A_2] : memref<320000xi32, #tpu.memory_space<hbm>> -> memref<80xi32, #tpu.memory_space<hbm>>
      tpu.wait_dma2 semaphore(%arg30 : memref<!tpu.dma_semaphore, #tpu.memory_space<semaphore_mem>>) src(%dma_wait3A_342 : memref<80xi32, #tpu.memory_space<hbm>>) dst(%arg10 : memref<80xi32, #tpu.memory_space<vmem>>)
      %dma_wait3A_343 = tpu.memref_slice %arg5[%mul3A_2] : memref<320000xi32, #tpu.memory_space<hbm>> -> memref<80xi32, #tpu.memory_space<hbm>>
      %dma_wait3A_344 = tpu.memref_slice %arg5[%mul3A_2] : memref<320000xi32, #tpu.memory_space<hbm>> -> memref<80xi32, #tpu.memory_space<hbm>>
      tpu.wait_dma2 semaphore(%arg30 : memref<!tpu.dma_semaphore, #tpu.memory_space<semaphore_mem>>) src(%dma_wait3A_344 : memref<80xi32, #tpu.memory_space<hbm>>) dst(%arg14 : memref<80xi32, #tpu.memory_space<vmem>>)
      %dma_start3A_345 = arith.constant 0 : i32
      %dma_start3A_346 = arith.constant 0 : i32
      %dma_start3A_347 = tpu.memref_slice %arg2[%dma_start3A_345, %dma_start3A_346] : memref<10000x128xi32, #tpu.memory_space<hbm>> -> memref<10000x128xi32, #tpu.memory_space<hbm>>
      tpu.enqueue_indirect_dma source(%dma_start3A_347 : memref<10000x128xi32, #tpu.memory_space<hbm>>) target(%arg22 : memref<80x128xi32, #tpu.memory_space<vmem>>) offsets(%arg10 : memref<80xi32, #tpu.memory_space<vmem>>) semaphore(%arg34 : memref<!tpu.dma_semaphore, #tpu.memory_space<semaphore_mem>>)
      %dma_start3A_348 = arith.constant 0 : i32
      %dma_start3A_349 = arith.constant 0 : i32
      %dma_start3A_350 = tpu.memref_slice %arg3[%dma_start3A_348, %dma_start3A_349] : memref<10000x128xi32, #tpu.memory_space<hbm>> -> memref<10000x128xi32, #tpu.memory_space<hbm>>
      tpu.enqueue_indirect_dma source(%dma_start3A_350 : memref<10000x128xi32, #tpu.memory_space<hbm>>) target(%arg26 : memref<80x128xi32, #tpu.memory_space<vmem>>) offsets(%arg14 : memref<80xi32, #tpu.memory_space<vmem>>) semaphore(%arg34 : memref<!tpu.dma_semaphore, #tpu.memory_space<semaphore_mem>>)
      %dma_start3A_351 = arith.constant 0 : i32
      %dma_start3A_352 = tpu.memref_slice %arg6[%dma_start3A_351] : memref<10000xi32, #tpu.memory_space<hbm>> -> memref<10000xi32, #tpu.memory_space<hbm>>
      tpu.enqueue_indirect_dma source(%dma_start3A_352 : memref<10000xi32, #tpu.memory_space<hbm>>) target(%arg18 : memref<80xi32, #tpu.memory_space<vmem>>) offsets(%arg10 : memref<80xi32, #tpu.memory_space<vmem>>) semaphore(%arg34 : memref<!tpu.dma_semaphore, #tpu.memory_space<semaphore_mem>>)
      %dma_wait3A_353 = arith.constant 0 : i32
      %dma_wait3A_354 = arith.constant 0 : i32
      %dma_wait3A_355 = tpu.memref_slice %arg2[%dma_wait3A_353, %dma_wait3A_354] : memref<10000x128xi32, #tpu.memory_space<hbm>> -> memref<80x128xi32, #tpu.memory_space<hbm>>
      %dma_wait3A_356 = arith.constant 0 : i32
      %dma_wait3A_357 = arith.constant 0 : i32
      %dma_wait3A_358 = tpu.memref_slice %arg2[%dma_wait3A_356, %dma_wait3A_357] : memref<10000x128xi32, #tpu.memory_space<hbm>> -> memref<80x128xi32, #tpu.memory_space<hbm>>
      tpu.wait_dma2 semaphore(%arg35 : memref<!tpu.dma_semaphore, #tpu.memory_space<semaphore_mem>>) src(%dma_wait3A_358 : memref<80x128xi32, #tpu.memory_space<hbm>>) dst(%arg23 : memref<80x128xi32, #tpu.memory_space<vmem>>)
      %dma_wait3A_359 = arith.constant 0 : i32
      %dma_wait3A_360 = arith.constant 0 : i32
      %dma_wait3A_361 = tpu.memref_slice %arg2[%dma_wait3A_359, %dma_wait3A_360] : memref<10000x128xi32, #tpu.memory_space<hbm>> -> memref<80x128xi32, #tpu.memory_space<hbm>>
      %dma_wait3A_362 = arith.constant 0 : i32
      %dma_wait3A_363 = arith.constant 0 : i32
      %dma_wait3A_364 = tpu.memref_slice %arg2[%dma_wait3A_362, %dma_wait3A_363] : memref<10000x128xi32, #tpu.memory_space<hbm>> -> memref<80x128xi32, #tpu.memory_space<hbm>>
      tpu.wait_dma2 semaphore(%arg35 : memref<!tpu.dma_semaphore, #tpu.memory_space<semaphore_mem>>) src(%dma_wait3A_364 : memref<80x128xi32, #tpu.memory_space<hbm>>) dst(%arg27 : memref<80x128xi32, #tpu.memory_space<vmem>>)
      %dma_wait3A_365 = arith.constant 0 : i32
      %dma_wait3A_366 = tpu.memref_slice %arg5[%dma_wait3A_365] : memref<320000xi32, #tpu.memory_space<hbm>> -> memref<80xi32, #tpu.memory_space<hbm>>
      %dma_wait3A_367 = arith.constant 0 : i32
      %dma_wait3A_368 = tpu.memref_slice %arg5[%dma_wait3A_367] : memref<320000xi32, #tpu.memory_space<hbm>> -> memref<80xi32, #tpu.memory_space<hbm>>
      tpu.wait_dma2 semaphore(%arg35 : memref<!tpu.dma_semaphore, #tpu.memory_space<semaphore_mem>>) src(%dma_wait3A_368 : memref<80xi32, #tpu.memory_space<hbm>>) dst(%arg19 : memref<80xi32, #tpu.memory_space<vmem>>)
      %add3A_369 = arith.constant 1 : i32
      %add3A_370 = arith.addi %mul3A_288, %add3A_369 : i32
      %mul3A_371 = arith.constant 80 : i32
      %mul3A_372 = arith.muli %add3A_370, %mul3A_371 : i32
      %add3A_373 = arith.addi %mul3A_2, %mul3A_372 : i32
      %dma_start3A_374 = arith.constant 0 : i32
      %dma_start3A_375 = tpu.memref_slice %arg7[%add3A_373, %dma_start3A_374] : memref<320000x128xi32, #tpu.memory_space<hbm>> -> memref<80x128xi32, #tpu.memory_space<hbm>>
      %dma_start3A_376 = arith.constant 0 : i32
      %dma_start3A_377 = tpu.memref_slice %arg7[%add3A_373, %dma_start3A_376] : memref<320000x128xi32, #tpu.memory_space<hbm>> -> memref<80x128xi32, #tpu.memory_space<hbm>>
      tpu.enqueue_dma source(%arg23 : memref<80x128xi32, #tpu.memory_space<vmem>>) target(%dma_start3A_377 : memref<80x128xi32, #tpu.memory_space<hbm>>) target_semaphore(%arg39 : memref<!tpu.dma_semaphore, #tpu.memory_space<semaphore_mem>>)
      %dma_start3A_378 = arith.constant 0 : i32
      %dma_start3A_379 = tpu.memref_slice %arg8[%add3A_373, %dma_start3A_378] : memref<320000x128xi32, #tpu.memory_space<hbm>> -> memref<80x128xi32, #tpu.memory_space<hbm>>
      %dma_start3A_380 = arith.constant 0 : i32
      %dma_start3A_381 = tpu.memref_slice %arg8[%add3A_373, %dma_start3A_380] : memref<320000x128xi32, #tpu.memory_space<hbm>> -> memref<80x128xi32, #tpu.memory_space<hbm>>
      tpu.enqueue_dma source(%arg27 : memref<80x128xi32, #tpu.memory_space<vmem>>) target(%dma_start3A_381 : memref<80x128xi32, #tpu.memory_space<hbm>>) target_semaphore(%arg39 : memref<!tpu.dma_semaphore, #tpu.memory_space<semaphore_mem>>)
      %dma_start3A_382 = tpu.memref_slice %arg9[%add3A_373] : memref<320000xi32, #tpu.memory_space<hbm>> -> memref<80xi32, #tpu.memory_space<hbm>>
      %dma_start3A_383 = tpu.memref_slice %arg9[%add3A_373] : memref<320000xi32, #tpu.memory_space<hbm>> -> memref<80xi32, #tpu.memory_space<hbm>>
      tpu.enqueue_dma source(%arg19 : memref<80xi32, #tpu.memory_space<vmem>>) target(%dma_start3A_383 : memref<80xi32, #tpu.memory_space<hbm>>) target_semaphore(%arg39 : memref<!tpu.dma_semaphore, #tpu.memory_space<semaphore_mem>>)
      %add3A_384 = arith.constant 1 : i32
      %add3A_385 = arith.addi %mul3A_288, %add3A_384 : i32
      %add3A_386 = arith.constant 4 : i32
      %add3A_387 = arith.addi %add3A_385, %add3A_386 : i32
      %mul3A_388 = arith.constant 80 : i32
      %mul3A_389 = arith.muli %add3A_387, %mul3A_388 : i32
      %add3A_390 = arith.addi %mul3A_2, %mul3A_389 : i32
      %dma_start3A_391 = tpu.memref_slice %arg5[%add3A_390] : memref<320000xi32, #tpu.memory_space<hbm>> -> memref<80xi32, #tpu.memory_space<hbm>>
      %dma_start3A_392 = tpu.memref_slice %arg5[%add3A_390] : memref<320000xi32, #tpu.memory_space<hbm>> -> memref<80xi32, #tpu.memory_space<hbm>>
      tpu.enqueue_dma source(%dma_start3A_392 : memref<80xi32, #tpu.memory_space<hbm>>) target(%arg11 : memref<80xi32, #tpu.memory_space<vmem>>) target_semaphore(%arg31 : memref<!tpu.dma_semaphore, #tpu.memory_space<semaphore_mem>>)
      %dma_start3A_393 = tpu.memref_slice %arg4[%add3A_390] : memref<320000xi32, #tpu.memory_space<hbm>> -> memref<80xi32, #tpu.memory_space<hbm>>
      %dma_start3A_394 = tpu.memref_slice %arg4[%add3A_390] : memref<320000xi32, #tpu.memory_space<hbm>> -> memref<80xi32, #tpu.memory_space<hbm>>
      tpu.enqueue_dma source(%dma_start3A_394 : memref<80xi32, #tpu.memory_space<hbm>>) target(%arg15 : memref<80xi32, #tpu.memory_space<vmem>>) target_semaphore(%arg31 : memref<!tpu.dma_semaphore, #tpu.memory_space<semaphore_mem>>)
      %dma_wait3A_395 = arith.constant 0 : i32
      %dma_wait3A_396 = tpu.memref_slice %arg7[%mul3A_2, %dma_wait3A_395] : memref<320000x128xi32, #tpu.memory_space<hbm>> -> memref<80x128xi32, #tpu.memory_space<hbm>>
      %dma_wait3A_397 = arith.constant 0 : i32
      %dma_wait3A_398 = tpu.memref_slice %arg7[%mul3A_2, %dma_wait3A_397] : memref<320000x128xi32, #tpu.memory_space<hbm>> -> memref<80x128xi32, #tpu.memory_space<hbm>>
      tpu.wait_dma2 semaphore(%arg39 : memref<!tpu.dma_semaphore, #tpu.memory_space<semaphore_mem>>) src(%arg23 : memref<80x128xi32, #tpu.memory_space<vmem>>) dst(%dma_wait3A_398 : memref<80x128xi32, #tpu.memory_space<hbm>>)
      %dma_wait3A_399 = arith.constant 0 : i32
      %dma_wait3A_400 = tpu.memref_slice %arg8[%mul3A_2, %dma_wait3A_399] : memref<320000x128xi32, #tpu.memory_space<hbm>> -> memref<80x128xi32, #tpu.memory_space<hbm>>
      %dma_wait3A_401 = arith.constant 0 : i32
      %dma_wait3A_402 = tpu.memref_slice %arg8[%mul3A_2, %dma_wait3A_401] : memref<320000x128xi32, #tpu.memory_space<hbm>> -> memref<80x128xi32, #tpu.memory_space<hbm>>
      tpu.wait_dma2 semaphore(%arg39 : memref<!tpu.dma_semaphore, #tpu.memory_space<semaphore_mem>>) src(%arg27 : memref<80x128xi32, #tpu.memory_space<vmem>>) dst(%dma_wait3A_402 : memref<80x128xi32, #tpu.memory_space<hbm>>)
      %dma_wait3A_403 = tpu.memref_slice %arg9[%mul3A_2] : memref<320000xi32, #tpu.memory_space<hbm>> -> memref<80xi32, #tpu.memory_space<hbm>>
      %dma_wait3A_404 = tpu.memref_slice %arg9[%mul3A_2] : memref<320000xi32, #tpu.memory_space<hbm>> -> memref<80xi32, #tpu.memory_space<hbm>>
      tpu.wait_dma2 semaphore(%arg39 : memref<!tpu.dma_semaphore, #tpu.memory_space<semaphore_mem>>) src(%arg19 : memref<80xi32, #tpu.memory_space<vmem>>) dst(%dma_wait3A_404 : memref<80xi32, #tpu.memory_space<hbm>>)
      %dma_wait3A_405 = tpu.memref_slice %arg5[%mul3A_2] : memref<320000xi32, #tpu.memory_space<hbm>> -> memref<80xi32, #tpu.memory_space<hbm>>
      %dma_wait3A_406 = tpu.memref_slice %arg5[%mul3A_2] : memref<320000xi32, #tpu.memory_space<hbm>> -> memref<80xi32, #tpu.memory_space<hbm>>
      tpu.wait_dma2 semaphore(%arg31 : memref<!tpu.dma_semaphore, #tpu.memory_space<semaphore_mem>>) src(%dma_wait3A_406 : memref<80xi32, #tpu.memory_space<hbm>>) dst(%arg11 : memref<80xi32, #tpu.memory_space<vmem>>)
      %dma_wait3A_407 = tpu.memref_slice %arg5[%mul3A_2] : memref<320000xi32, #tpu.memory_space<hbm>> -> memref<80xi32, #tpu.memory_space<hbm>>
      %dma_wait3A_408 = tpu.memref_slice %arg5[%mul3A_2] : memref<320000xi32, #tpu.memory_space<hbm>> -> memref<80xi32, #tpu.memory_space<hbm>>
      tpu.wait_dma2 semaphore(%arg31 : memref<!tpu.dma_semaphore, #tpu.memory_space<semaphore_mem>>) src(%dma_wait3A_408 : memref<80xi32, #tpu.memory_space<hbm>>) dst(%arg15 : memref<80xi32, #tpu.memory_space<vmem>>)
      %dma_start3A_409 = arith.constant 0 : i32
      %dma_start3A_410 = arith.constant 0 : i32
      %dma_start3A_411 = tpu.memref_slice %arg2[%dma_start3A_409, %dma_start3A_410] : memref<10000x128xi32, #tpu.memory_space<hbm>> -> memref<10000x128xi32, #tpu.memory_space<hbm>>
      tpu.enqueue_indirect_dma source(%dma_start3A_411 : memref<10000x128xi32, #tpu.memory_space<hbm>>) target(%arg23 : memref<80x128xi32, #tpu.memory_space<vmem>>) offsets(%arg11 : memref<80xi32, #tpu.memory_space<vmem>>) semaphore(%arg35 : memref<!tpu.dma_semaphore, #tpu.memory_space<semaphore_mem>>)
      %dma_start3A_412 = arith.constant 0 : i32
      %dma_start3A_413 = arith.constant 0 : i32
      %dma_start3A_414 = tpu.memref_slice %arg3[%dma_start3A_412, %dma_start3A_413] : memref<10000x128xi32, #tpu.memory_space<hbm>> -> memref<10000x128xi32, #tpu.memory_space<hbm>>
      tpu.enqueue_indirect_dma source(%dma_start3A_414 : memref<10000x128xi32, #tpu.memory_space<hbm>>) target(%arg27 : memref<80x128xi32, #tpu.memory_space<vmem>>) offsets(%arg15 : memref<80xi32, #tpu.memory_space<vmem>>) semaphore(%arg35 : memref<!tpu.dma_semaphore, #tpu.memory_space<semaphore_mem>>)
      %dma_start3A_415 = arith.constant 0 : i32
      %dma_start3A_416 = tpu.memref_slice %arg6[%dma_start3A_415] : memref<10000xi32, #tpu.memory_space<hbm>> -> memref<10000xi32, #tpu.memory_space<hbm>>
      tpu.enqueue_indirect_dma source(%dma_start3A_416 : memref<10000xi32, #tpu.memory_space<hbm>>) target(%arg19 : memref<80xi32, #tpu.memory_space<vmem>>) offsets(%arg11 : memref<80xi32, #tpu.memory_space<vmem>>) semaphore(%arg35 : memref<!tpu.dma_semaphore, #tpu.memory_space<semaphore_mem>>)
      %dma_wait3A_417 = arith.constant 0 : i32
      %dma_wait3A_418 = arith.constant 0 : i32
      %dma_wait3A_419 = tpu.memref_slice %arg2[%dma_wait3A_417, %dma_wait3A_418] : memref<10000x128xi32, #tpu.memory_space<hbm>> -> memref<80x128xi32, #tpu.memory_space<hbm>>
      %dma_wait3A_420 = arith.constant 0 : i32
      %dma_wait3A_421 = arith.constant 0 : i32
      %dma_wait3A_422 = tpu.memref_slice %arg2[%dma_wait3A_420, %dma_wait3A_421] : memref<10000x128xi32, #tpu.memory_space<hbm>> -> memref<80x128xi32, #tpu.memory_space<hbm>>
      tpu.wait_dma2 semaphore(%arg36 : memref<!tpu.dma_semaphore, #tpu.memory_space<semaphore_mem>>) src(%dma_wait3A_422 : memref<80x128xi32, #tpu.memory_space<hbm>>) dst(%arg24 : memref<80x128xi32, #tpu.memory_space<vmem>>)
      %dma_wait3A_423 = arith.constant 0 : i32
      %dma_wait3A_424 = arith.constant 0 : i32
      %dma_wait3A_425 = tpu.memref_slice %arg2[%dma_wait3A_423, %dma_wait3A_424] : memref<10000x128xi32, #tpu.memory_space<hbm>> -> memref<80x128xi32, #tpu.memory_space<hbm>>
      %dma_wait3A_426 = arith.constant 0 : i32
      %dma_wait3A_427 = arith.constant 0 : i32
      %dma_wait3A_428 = tpu.memref_slice %arg2[%dma_wait3A_426, %dma_wait3A_427] : memref<10000x128xi32, #tpu.memory_space<hbm>> -> memref<80x128xi32, #tpu.memory_space<hbm>>
      tpu.wait_dma2 semaphore(%arg36 : memref<!tpu.dma_semaphore, #tpu.memory_space<semaphore_mem>>) src(%dma_wait3A_428 : memref<80x128xi32, #tpu.memory_space<hbm>>) dst(%arg28 : memref<80x128xi32, #tpu.memory_space<vmem>>)
      %dma_wait3A_429 = arith.constant 0 : i32
      %dma_wait3A_430 = tpu.memref_slice %arg5[%dma_wait3A_429] : memref<320000xi32, #tpu.memory_space<hbm>> -> memref<80xi32, #tpu.memory_space<hbm>>
      %dma_wait3A_431 = arith.constant 0 : i32
      %dma_wait3A_432 = tpu.memref_slice %arg5[%dma_wait3A_431] : memref<320000xi32, #tpu.memory_space<hbm>> -> memref<80xi32, #tpu.memory_space<hbm>>
      tpu.wait_dma2 semaphore(%arg36 : memref<!tpu.dma_semaphore, #tpu.memory_space<semaphore_mem>>) src(%dma_wait3A_432 : memref<80xi32, #tpu.memory_space<hbm>>) dst(%arg20 : memref<80xi32, #tpu.memory_space<vmem>>)
      %add3A_433 = arith.constant 2 : i32
      %add3A_434 = arith.addi %mul3A_288, %add3A_433 : i32
      %mul3A_435 = arith.constant 80 : i32
      %mul3A_436 = arith.muli %add3A_434, %mul3A_435 : i32
      %add3A_437 = arith.addi %mul3A_2, %mul3A_436 : i32
      %dma_start3A_438 = arith.constant 0 : i32
      %dma_start3A_439 = tpu.memref_slice %arg7[%add3A_437, %dma_start3A_438] : memref<320000x128xi32, #tpu.memory_space<hbm>> -> memref<80x128xi32, #tpu.memory_space<hbm>>
      %dma_start3A_440 = arith.constant 0 : i32
      %dma_start3A_441 = tpu.memref_slice %arg7[%add3A_437, %dma_start3A_440] : memref<320000x128xi32, #tpu.memory_space<hbm>> -> memref<80x128xi32, #tpu.memory_space<hbm>>
      tpu.enqueue_dma source(%arg24 : memref<80x128xi32, #tpu.memory_space<vmem>>) target(%dma_start3A_441 : memref<80x128xi32, #tpu.memory_space<hbm>>) target_semaphore(%arg40 : memref<!tpu.dma_semaphore, #tpu.memory_space<semaphore_mem>>)
      %dma_start3A_442 = arith.constant 0 : i32
      %dma_start3A_443 = tpu.memref_slice %arg8[%add3A_437, %dma_start3A_442] : memref<320000x128xi32, #tpu.memory_space<hbm>> -> memref<80x128xi32, #tpu.memory_space<hbm>>
      %dma_start3A_444 = arith.constant 0 : i32
      %dma_start3A_445 = tpu.memref_slice %arg8[%add3A_437, %dma_start3A_444] : memref<320000x128xi32, #tpu.memory_space<hbm>> -> memref<80x128xi32, #tpu.memory_space<hbm>>
      tpu.enqueue_dma source(%arg28 : memref<80x128xi32, #tpu.memory_space<vmem>>) target(%dma_start3A_445 : memref<80x128xi32, #tpu.memory_space<hbm>>) target_semaphore(%arg40 : memref<!tpu.dma_semaphore, #tpu.memory_space<semaphore_mem>>)
      %dma_start3A_446 = tpu.memref_slice %arg9[%add3A_437] : memref<320000xi32, #tpu.memory_space<hbm>> -> memref<80xi32, #tpu.memory_space<hbm>>
      %dma_start3A_447 = tpu.memref_slice %arg9[%add3A_437] : memref<320000xi32, #tpu.memory_space<hbm>> -> memref<80xi32, #tpu.memory_space<hbm>>
      tpu.enqueue_dma source(%arg20 : memref<80xi32, #tpu.memory_space<vmem>>) target(%dma_start3A_447 : memref<80xi32, #tpu.memory_space<hbm>>) target_semaphore(%arg40 : memref<!tpu.dma_semaphore, #tpu.memory_space<semaphore_mem>>)
      %add3A_448 = arith.constant 2 : i32
      %add3A_449 = arith.addi %mul3A_288, %add3A_448 : i32
      %add3A_450 = arith.constant 4 : i32
      %add3A_451 = arith.addi %add3A_449, %add3A_450 : i32
      %mul3A_452 = arith.constant 80 : i32
      %mul3A_453 = arith.muli %add3A_451, %mul3A_452 : i32
      %add3A_454 = arith.addi %mul3A_2, %mul3A_453 : i32
      %dma_start3A_455 = tpu.memref_slice %arg5[%add3A_454] : memref<320000xi32, #tpu.memory_space<hbm>> -> memref<80xi32, #tpu.memory_space<hbm>>
      %dma_start3A_456 = tpu.memref_slice %arg5[%add3A_454] : memref<320000xi32, #tpu.memory_space<hbm>> -> memref<80xi32, #tpu.memory_space<hbm>>
      tpu.enqueue_dma source(%dma_start3A_456 : memref<80xi32, #tpu.memory_space<hbm>>) target(%arg12 : memref<80xi32, #tpu.memory_space<vmem>>) target_semaphore(%arg32 : memref<!tpu.dma_semaphore, #tpu.memory_space<semaphore_mem>>)
      %dma_start3A_457 = tpu.memref_slice %arg4[%add3A_454] : memref<320000xi32, #tpu.memory_space<hbm>> -> memref<80xi32, #tpu.memory_space<hbm>>
      %dma_start3A_458 = tpu.memref_slice %arg4[%add3A_454] : memref<320000xi32, #tpu.memory_space<hbm>> -> memref<80xi32, #tpu.memory_space<hbm>>
      tpu.enqueue_dma source(%dma_start3A_458 : memref<80xi32, #tpu.memory_space<hbm>>) target(%arg16 : memref<80xi32, #tpu.memory_space<vmem>>) target_semaphore(%arg32 : memref<!tpu.dma_semaphore, #tpu.memory_space<semaphore_mem>>)
      %dma_wait3A_459 = arith.constant 0 : i32
      %dma_wait3A_460 = tpu.memref_slice %arg7[%mul3A_2, %dma_wait3A_459] : memref<320000x128xi32, #tpu.memory_space<hbm>> -> memref<80x128xi32, #tpu.memory_space<hbm>>
      %dma_wait3A_461 = arith.constant 0 : i32
      %dma_wait3A_462 = tpu.memref_slice %arg7[%mul3A_2, %dma_wait3A_461] : memref<320000x128xi32, #tpu.memory_space<hbm>> -> memref<80x128xi32, #tpu.memory_space<hbm>>
      tpu.wait_dma2 semaphore(%arg40 : memref<!tpu.dma_semaphore, #tpu.memory_space<semaphore_mem>>) src(%arg24 : memref<80x128xi32, #tpu.memory_space<vmem>>) dst(%dma_wait3A_462 : memref<80x128xi32, #tpu.memory_space<hbm>>)
      %dma_wait3A_463 = arith.constant 0 : i32
      %dma_wait3A_464 = tpu.memref_slice %arg8[%mul3A_2, %dma_wait3A_463] : memref<320000x128xi32, #tpu.memory_space<hbm>> -> memref<80x128xi32, #tpu.memory_space<hbm>>
      %dma_wait3A_465 = arith.constant 0 : i32
      %dma_wait3A_466 = tpu.memref_slice %arg8[%mul3A_2, %dma_wait3A_465] : memref<320000x128xi32, #tpu.memory_space<hbm>> -> memref<80x128xi32, #tpu.memory_space<hbm>>
      tpu.wait_dma2 semaphore(%arg40 : memref<!tpu.dma_semaphore, #tpu.memory_space<semaphore_mem>>) src(%arg28 : memref<80x128xi32, #tpu.memory_space<vmem>>) dst(%dma_wait3A_466 : memref<80x128xi32, #tpu.memory_space<hbm>>)
      %dma_wait3A_467 = tpu.memref_slice %arg9[%mul3A_2] : memref<320000xi32, #tpu.memory_space<hbm>> -> memref<80xi32, #tpu.memory_space<hbm>>
      %dma_wait3A_468 = tpu.memref_slice %arg9[%mul3A_2] : memref<320000xi32, #tpu.memory_space<hbm>> -> memref<80xi32, #tpu.memory_space<hbm>>
      tpu.wait_dma2 semaphore(%arg40 : memref<!tpu.dma_semaphore, #tpu.memory_space<semaphore_mem>>) src(%arg20 : memref<80xi32, #tpu.memory_space<vmem>>) dst(%dma_wait3A_468 : memref<80xi32, #tpu.memory_space<hbm>>)
      %dma_wait3A_469 = tpu.memref_slice %arg5[%mul3A_2] : memref<320000xi32, #tpu.memory_space<hbm>> -> memref<80xi32, #tpu.memory_space<hbm>>
      %dma_wait3A_470 = tpu.memref_slice %arg5[%mul3A_2] : memref<320000xi32, #tpu.memory_space<hbm>> -> memref<80xi32, #tpu.memory_space<hbm>>
      tpu.wait_dma2 semaphore(%arg32 : memref<!tpu.dma_semaphore, #tpu.memory_space<semaphore_mem>>) src(%dma_wait3A_470 : memref<80xi32, #tpu.memory_space<hbm>>) dst(%arg12 : memref<80xi32, #tpu.memory_space<vmem>>)
      %dma_wait3A_471 = tpu.memref_slice %arg5[%mul3A_2] : memref<320000xi32, #tpu.memory_space<hbm>> -> memref<80xi32, #tpu.memory_space<hbm>>
      %dma_wait3A_472 = tpu.memref_slice %arg5[%mul3A_2] : memref<320000xi32, #tpu.memory_space<hbm>> -> memref<80xi32, #tpu.memory_space<hbm>>
      tpu.wait_dma2 semaphore(%arg32 : memref<!tpu.dma_semaphore, #tpu.memory_space<semaphore_mem>>) src(%dma_wait3A_472 : memref<80xi32, #tpu.memory_space<hbm>>) dst(%arg16 : memref<80xi32, #tpu.memory_space<vmem>>)
      %dma_start3A_473 = arith.constant 0 : i32
      %dma_start3A_474 = arith.constant 0 : i32
      %dma_start3A_475 = tpu.memref_slice %arg2[%dma_start3A_473, %dma_start3A_474] : memref<10000x128xi32, #tpu.memory_space<hbm>> -> memref<10000x128xi32, #tpu.memory_space<hbm>>
      tpu.enqueue_indirect_dma source(%dma_start3A_475 : memref<10000x128xi32, #tpu.memory_space<hbm>>) target(%arg24 : memref<80x128xi32, #tpu.memory_space<vmem>>) offsets(%arg12 : memref<80xi32, #tpu.memory_space<vmem>>) semaphore(%arg36 : memref<!tpu.dma_semaphore, #tpu.memory_space<semaphore_mem>>)
      %dma_start3A_476 = arith.constant 0 : i32
      %dma_start3A_477 = arith.constant 0 : i32
      %dma_start3A_478 = tpu.memref_slice %arg3[%dma_start3A_476, %dma_start3A_477] : memref<10000x128xi32, #tpu.memory_space<hbm>> -> memref<10000x128xi32, #tpu.memory_space<hbm>>
      tpu.enqueue_indirect_dma source(%dma_start3A_478 : memref<10000x128xi32, #tpu.memory_space<hbm>>) target(%arg28 : memref<80x128xi32, #tpu.memory_space<vmem>>) offsets(%arg16 : memref<80xi32, #tpu.memory_space<vmem>>) semaphore(%arg36 : memref<!tpu.dma_semaphore, #tpu.memory_space<semaphore_mem>>)
      %dma_start3A_479 = arith.constant 0 : i32
      %dma_start3A_480 = tpu.memref_slice %arg6[%dma_start3A_479] : memref<10000xi32, #tpu.memory_space<hbm>> -> memref<10000xi32, #tpu.memory_space<hbm>>
      tpu.enqueue_indirect_dma source(%dma_start3A_480 : memref<10000xi32, #tpu.memory_space<hbm>>) target(%arg20 : memref<80xi32, #tpu.memory_space<vmem>>) offsets(%arg12 : memref<80xi32, #tpu.memory_space<vmem>>) semaphore(%arg36 : memref<!tpu.dma_semaphore, #tpu.memory_space<semaphore_mem>>)
      %dma_wait3A_481 = arith.constant 0 : i32
      %dma_wait3A_482 = arith.constant 0 : i32
      %dma_wait3A_483 = tpu.memref_slice %arg2[%dma_wait3A_481, %dma_wait3A_482] : memref<10000x128xi32, #tpu.memory_space<hbm>> -> memref<80x128xi32, #tpu.memory_space<hbm>>
      %dma_wait3A_484 = arith.constant 0 : i32
      %dma_wait3A_485 = arith.constant 0 : i32
      %dma_wait3A_486 = tpu.memref_slice %arg2[%dma_wait3A_484, %dma_wait3A_485] : memref<10000x128xi32, #tpu.memory_space<hbm>> -> memref<80x128xi32, #tpu.memory_space<hbm>>
      tpu.wait_dma2 semaphore(%arg37 : memref<!tpu.dma_semaphore, #tpu.memory_space<semaphore_mem>>) src(%dma_wait3A_486 : memref<80x128xi32, #tpu.memory_space<hbm>>) dst(%arg25 : memref<80x128xi32, #tpu.memory_space<vmem>>)
      %dma_wait3A_487 = arith.constant 0 : i32
      %dma_wait3A_488 = arith.constant 0 : i32
      %dma_wait3A_489 = tpu.memref_slice %arg2[%dma_wait3A_487, %dma_wait3A_488] : memref<10000x128xi32, #tpu.memory_space<hbm>> -> memref<80x128xi32, #tpu.memory_space<hbm>>
      %dma_wait3A_490 = arith.constant 0 : i32
      %dma_wait3A_491 = arith.constant 0 : i32
      %dma_wait3A_492 = tpu.memref_slice %arg2[%dma_wait3A_490, %dma_wait3A_491] : memref<10000x128xi32, #tpu.memory_space<hbm>> -> memref<80x128xi32, #tpu.memory_space<hbm>>
      tpu.wait_dma2 semaphore(%arg37 : memref<!tpu.dma_semaphore, #tpu.memory_space<semaphore_mem>>) src(%dma_wait3A_492 : memref<80x128xi32, #tpu.memory_space<hbm>>) dst(%arg29 : memref<80x128xi32, #tpu.memory_space<vmem>>)
      %dma_wait3A_493 = arith.constant 0 : i32
      %dma_wait3A_494 = tpu.memref_slice %arg5[%dma_wait3A_493] : memref<320000xi32, #tpu.memory_space<hbm>> -> memref<80xi32, #tpu.memory_space<hbm>>
      %dma_wait3A_495 = arith.constant 0 : i32
      %dma_wait3A_496 = tpu.memref_slice %arg5[%dma_wait3A_495] : memref<320000xi32, #tpu.memory_space<hbm>> -> memref<80xi32, #tpu.memory_space<hbm>>
      tpu.wait_dma2 semaphore(%arg37 : memref<!tpu.dma_semaphore, #tpu.memory_space<semaphore_mem>>) src(%dma_wait3A_496 : memref<80xi32, #tpu.memory_space<hbm>>) dst(%arg21 : memref<80xi32, #tpu.memory_space<vmem>>)
      %add3A_497 = arith.constant 3 : i32
      %add3A_498 = arith.addi %mul3A_288, %add3A_497 : i32
      %mul3A_499 = arith.constant 80 : i32
      %mul3A_500 = arith.muli %add3A_498, %mul3A_499 : i32
      %add3A_501 = arith.addi %mul3A_2, %mul3A_500 : i32
      %dma_start3A_502 = arith.constant 0 : i32
      %dma_start3A_503 = tpu.memref_slice %arg7[%add3A_501, %dma_start3A_502] : memref<320000x128xi32, #tpu.memory_space<hbm>> -> memref<80x128xi32, #tpu.memory_space<hbm>>
      %dma_start3A_504 = arith.constant 0 : i32
      %dma_start3A_505 = tpu.memref_slice %arg7[%add3A_501, %dma_start3A_504] : memref<320000x128xi32, #tpu.memory_space<hbm>> -> memref<80x128xi32, #tpu.memory_space<hbm>>
      tpu.enqueue_dma source(%arg25 : memref<80x128xi32, #tpu.memory_space<vmem>>) target(%dma_start3A_505 : memref<80x128xi32, #tpu.memory_space<hbm>>) target_semaphore(%arg41 : memref<!tpu.dma_semaphore, #tpu.memory_space<semaphore_mem>>)
      %dma_start3A_506 = arith.constant 0 : i32
      %dma_start3A_507 = tpu.memref_slice %arg8[%add3A_501, %dma_start3A_506] : memref<320000x128xi32, #tpu.memory_space<hbm>> -> memref<80x128xi32, #tpu.memory_space<hbm>>
      %dma_start3A_508 = arith.constant 0 : i32
      %dma_start3A_509 = tpu.memref_slice %arg8[%add3A_501, %dma_start3A_508] : memref<320000x128xi32, #tpu.memory_space<hbm>> -> memref<80x128xi32, #tpu.memory_space<hbm>>
      tpu.enqueue_dma source(%arg29 : memref<80x128xi32, #tpu.memory_space<vmem>>) target(%dma_start3A_509 : memref<80x128xi32, #tpu.memory_space<hbm>>) target_semaphore(%arg41 : memref<!tpu.dma_semaphore, #tpu.memory_space<semaphore_mem>>)
      %dma_start3A_510 = tpu.memref_slice %arg9[%add3A_501] : memref<320000xi32, #tpu.memory_space<hbm>> -> memref<80xi32, #tpu.memory_space<hbm>>
      %dma_start3A_511 = tpu.memref_slice %arg9[%add3A_501] : memref<320000xi32, #tpu.memory_space<hbm>> -> memref<80xi32, #tpu.memory_space<hbm>>
      tpu.enqueue_dma source(%arg21 : memref<80xi32, #tpu.memory_space<vmem>>) target(%dma_start3A_511 : memref<80xi32, #tpu.memory_space<hbm>>) target_semaphore(%arg41 : memref<!tpu.dma_semaphore, #tpu.memory_space<semaphore_mem>>)
      %add3A_512 = arith.constant 3 : i32
      %add3A_513 = arith.addi %mul3A_288, %add3A_512 : i32
      %add3A_514 = arith.constant 4 : i32
      %add3A_515 = arith.addi %add3A_513, %add3A_514 : i32
      %mul3A_516 = arith.constant 80 : i32
      %mul3A_517 = arith.muli %add3A_515, %mul3A_516 : i32
      %add3A_518 = arith.addi %mul3A_2, %mul3A_517 : i32
      %dma_start3A_519 = tpu.memref_slice %arg5[%add3A_518] : memref<320000xi32, #tpu.memory_space<hbm>> -> memref<80xi32, #tpu.memory_space<hbm>>
      %dma_start3A_520 = tpu.memref_slice %arg5[%add3A_518] : memref<320000xi32, #tpu.memory_space<hbm>> -> memref<80xi32, #tpu.memory_space<hbm>>
      tpu.enqueue_dma source(%dma_start3A_520 : memref<80xi32, #tpu.memory_space<hbm>>) target(%arg13 : memref<80xi32, #tpu.memory_space<vmem>>) target_semaphore(%arg33 : memref<!tpu.dma_semaphore, #tpu.memory_space<semaphore_mem>>)
      %dma_start3A_521 = tpu.memref_slice %arg4[%add3A_518] : memref<320000xi32, #tpu.memory_space<hbm>> -> memref<80xi32, #tpu.memory_space<hbm>>
      %dma_start3A_522 = tpu.memref_slice %arg4[%add3A_518] : memref<320000xi32, #tpu.memory_space<hbm>> -> memref<80xi32, #tpu.memory_space<hbm>>
      tpu.enqueue_dma source(%dma_start3A_522 : memref<80xi32, #tpu.memory_space<hbm>>) target(%arg17 : memref<80xi32, #tpu.memory_space<vmem>>) target_semaphore(%arg33 : memref<!tpu.dma_semaphore, #tpu.memory_space<semaphore_mem>>)
      %dma_wait3A_523 = arith.constant 0 : i32
      %dma_wait3A_524 = tpu.memref_slice %arg7[%mul3A_2, %dma_wait3A_523] : memref<320000x128xi32, #tpu.memory_space<hbm>> -> memref<80x128xi32, #tpu.memory_space<hbm>>
      %dma_wait3A_525 = arith.constant 0 : i32
      %dma_wait3A_526 = tpu.memref_slice %arg7[%mul3A_2, %dma_wait3A_525] : memref<320000x128xi32, #tpu.memory_space<hbm>> -> memref<80x128xi32, #tpu.memory_space<hbm>>
      tpu.wait_dma2 semaphore(%arg41 : memref<!tpu.dma_semaphore, #tpu.memory_space<semaphore_mem>>) src(%arg25 : memref<80x128xi32, #tpu.memory_space<vmem>>) dst(%dma_wait3A_526 : memref<80x128xi32, #tpu.memory_space<hbm>>)
      %dma_wait3A_527 = arith.constant 0 : i32
      %dma_wait3A_528 = tpu.memref_slice %arg8[%mul3A_2, %dma_wait3A_527] : memref<320000x128xi32, #tpu.memory_space<hbm>> -> memref<80x128xi32, #tpu.memory_space<hbm>>
      %dma_wait3A_529 = arith.constant 0 : i32
      %dma_wait3A_530 = tpu.memref_slice %arg8[%mul3A_2, %dma_wait3A_529] : memref<320000x128xi32, #tpu.memory_space<hbm>> -> memref<80x128xi32, #tpu.memory_space<hbm>>
      tpu.wait_dma2 semaphore(%arg41 : memref<!tpu.dma_semaphore, #tpu.memory_space<semaphore_mem>>) src(%arg29 : memref<80x128xi32, #tpu.memory_space<vmem>>) dst(%dma_wait3A_530 : memref<80x128xi32, #tpu.memory_space<hbm>>)
      %dma_wait3A_531 = tpu.memref_slice %arg9[%mul3A_2] : memref<320000xi32, #tpu.memory_space<hbm>> -> memref<80xi32, #tpu.memory_space<hbm>>
      %dma_wait3A_532 = tpu.memref_slice %arg9[%mul3A_2] : memref<320000xi32, #tpu.memory_space<hbm>> -> memref<80xi32, #tpu.memory_space<hbm>>
      tpu.wait_dma2 semaphore(%arg41 : memref<!tpu.dma_semaphore, #tpu.memory_space<semaphore_mem>>) src(%arg21 : memref<80xi32, #tpu.memory_space<vmem>>) dst(%dma_wait3A_532 : memref<80xi32, #tpu.memory_space<hbm>>)
      %dma_wait3A_533 = tpu.memref_slice %arg5[%mul3A_2] : memref<320000xi32, #tpu.memory_space<hbm>> -> memref<80xi32, #tpu.memory_space<hbm>>
      %dma_wait3A_534 = tpu.memref_slice %arg5[%mul3A_2] : memref<320000xi32, #tpu.memory_space<hbm>> -> memref<80xi32, #tpu.memory_space<hbm>>
      tpu.wait_dma2 semaphore(%arg33 : memref<!tpu.dma_semaphore, #tpu.memory_space<semaphore_mem>>) src(%dma_wait3A_534 : memref<80xi32, #tpu.memory_space<hbm>>) dst(%arg13 : memref<80xi32, #tpu.memory_space<vmem>>)
      %dma_wait3A_535 = tpu.memref_slice %arg5[%mul3A_2] : memref<320000xi32, #tpu.memory_space<hbm>> -> memref<80xi32, #tpu.memory_space<hbm>>
      %dma_wait3A_536 = tpu.memref_slice %arg5[%mul3A_2] : memref<320000xi32, #tpu.memory_space<hbm>> -> memref<80xi32, #tpu.memory_space<hbm>>
      tpu.wait_dma2 semaphore(%arg33 : memref<!tpu.dma_semaphore, #tpu.memory_space<semaphore_mem>>) src(%dma_wait3A_536 : memref<80xi32, #tpu.memory_space<hbm>>) dst(%arg17 : memref<80xi32, #tpu.memory_space<vmem>>)
      %dma_start3A_537 = arith.constant 0 : i32
      %dma_start3A_538 = arith.constant 0 : i32
      %dma_start3A_539 = tpu.memref_slice %arg2[%dma_start3A_537, %dma_start3A_538] : memref<10000x128xi32, #tpu.memory_space<hbm>> -> memref<10000x128xi32, #tpu.memory_space<hbm>>
      tpu.enqueue_indirect_dma source(%dma_start3A_539 : memref<10000x128xi32, #tpu.memory_space<hbm>>) target(%arg25 : memref<80x128xi32, #tpu.memory_space<vmem>>) offsets(%arg13 : memref<80xi32, #tpu.memory_space<vmem>>) semaphore(%arg37 : memref<!tpu.dma_semaphore, #tpu.memory_space<semaphore_mem>>)
      %dma_start3A_540 = arith.constant 0 : i32
      %dma_start3A_541 = arith.constant 0 : i32
      %dma_start3A_542 = tpu.memref_slice %arg3[%dma_start3A_540, %dma_start3A_541] : memref<10000x128xi32, #tpu.memory_space<hbm>> -> memref<10000x128xi32, #tpu.memory_space<hbm>>
      tpu.enqueue_indirect_dma source(%dma_start3A_542 : memref<10000x128xi32, #tpu.memory_space<hbm>>) target(%arg29 : memref<80x128xi32, #tpu.memory_space<vmem>>) offsets(%arg17 : memref<80xi32, #tpu.memory_space<vmem>>) semaphore(%arg37 : memref<!tpu.dma_semaphore, #tpu.memory_space<semaphore_mem>>)
      %dma_start3A_543 = arith.constant 0 : i32
      %dma_start3A_544 = tpu.memref_slice %arg6[%dma_start3A_543] : memref<10000xi32, #tpu.memory_space<hbm>> -> memref<10000xi32, #tpu.memory_space<hbm>>
      tpu.enqueue_indirect_dma source(%dma_start3A_544 : memref<10000xi32, #tpu.memory_space<hbm>>) target(%arg21 : memref<80xi32, #tpu.memory_space<vmem>>) offsets(%arg13 : memref<80xi32, #tpu.memory_space<vmem>>) semaphore(%arg37 : memref<!tpu.dma_semaphore, #tpu.memory_space<semaphore_mem>>)
    }
    %scan3A_77 = arith.constant 30 : i32
    %dma_wait3A_78 = arith.constant 0 : i32
    %dma_wait3A_79 = arith.constant 0 : i32
    %dma_wait3A_80 = tpu.memref_slice %arg2[%dma_wait3A_78, %dma_wait3A_79] : memref<10000x128xi32, #tpu.memory_space<hbm>> -> memref<80x128xi32, #tpu.memory_space<hbm>>
    %dma_wait3A_81 = arith.constant 0 : i32
    %dma_wait3A_82 = arith.constant 0 : i32
    %dma_wait3A_83 = tpu.memref_slice %arg2[%dma_wait3A_81, %dma_wait3A_82] : memref<10000x128xi32, #tpu.memory_space<hbm>> -> memref<80x128xi32, #tpu.memory_space<hbm>>
    tpu.wait_dma2 semaphore(%arg34 : memref<!tpu.dma_semaphore, #tpu.memory_space<semaphore_mem>>) src(%dma_wait3A_83 : memref<80x128xi32, #tpu.memory_space<hbm>>) dst(%arg22 : memref<80x128xi32, #tpu.memory_space<vmem>>)
    %dma_wait3A_84 = arith.constant 0 : i32
    %dma_wait3A_85 = arith.constant 0 : i32
    %dma_wait3A_86 = tpu.memref_slice %arg2[%dma_wait3A_84, %dma_wait3A_85] : memref<10000x128xi32, #tpu.memory_space<hbm>> -> memref<80x128xi32, #tpu.memory_space<hbm>>
    %dma_wait3A_87 = arith.constant 0 : i32
    %dma_wait3A_88 = arith.constant 0 : i32
    %dma_wait3A_89 = tpu.memref_slice %arg2[%dma_wait3A_87, %dma_wait3A_88] : memref<10000x128xi32, #tpu.memory_space<hbm>> -> memref<80x128xi32, #tpu.memory_space<hbm>>
    tpu.wait_dma2 semaphore(%arg34 : memref<!tpu.dma_semaphore, #tpu.memory_space<semaphore_mem>>) src(%dma_wait3A_89 : memref<80x128xi32, #tpu.memory_space<hbm>>) dst(%arg26 : memref<80x128xi32, #tpu.memory_space<vmem>>)
    %dma_wait3A_90 = arith.constant 0 : i32
    %dma_wait3A_91 = tpu.memref_slice %arg5[%dma_wait3A_90] : memref<320000xi32, #tpu.memory_space<hbm>> -> memref<80xi32, #tpu.memory_space<hbm>>
    %dma_wait3A_92 = arith.constant 0 : i32
    %dma_wait3A_93 = tpu.memref_slice %arg5[%dma_wait3A_92] : memref<320000xi32, #tpu.memory_space<hbm>> -> memref<80xi32, #tpu.memory_space<hbm>>
    tpu.wait_dma2 semaphore(%arg34 : memref<!tpu.dma_semaphore, #tpu.memory_space<semaphore_mem>>) src(%dma_wait3A_93 : memref<80xi32, #tpu.memory_space<hbm>>) dst(%arg18 : memref<80xi32, #tpu.memory_space<vmem>>)
    %add3A_94 = arith.constant 9600 : i32
    %add3A_95 = arith.addi %mul3A_2, %add3A_94 : i32
    %dma_start3A_96 = arith.constant 0 : i32
    %dma_start3A_97 = tpu.memref_slice %arg7[%add3A_95, %dma_start3A_96] : memref<320000x128xi32, #tpu.memory_space<hbm>> -> memref<80x128xi32, #tpu.memory_space<hbm>>
    %dma_start3A_98 = arith.constant 0 : i32
    %dma_start3A_99 = tpu.memref_slice %arg7[%add3A_95, %dma_start3A_98] : memref<320000x128xi32, #tpu.memory_space<hbm>> -> memref<80x128xi32, #tpu.memory_space<hbm>>
    tpu.enqueue_dma source(%arg22 : memref<80x128xi32, #tpu.memory_space<vmem>>) target(%dma_start3A_99 : memref<80x128xi32, #tpu.memory_space<hbm>>) target_semaphore(%arg38 : memref<!tpu.dma_semaphore, #tpu.memory_space<semaphore_mem>>)
    %dma_start3A_100 = arith.constant 0 : i32
    %dma_start3A_101 = tpu.memref_slice %arg8[%add3A_95, %dma_start3A_100] : memref<320000x128xi32, #tpu.memory_space<hbm>> -> memref<80x128xi32, #tpu.memory_space<hbm>>
    %dma_start3A_102 = arith.constant 0 : i32
    %dma_start3A_103 = tpu.memref_slice %arg8[%add3A_95, %dma_start3A_102] : memref<320000x128xi32, #tpu.memory_space<hbm>> -> memref<80x128xi32, #tpu.memory_space<hbm>>
    tpu.enqueue_dma source(%arg26 : memref<80x128xi32, #tpu.memory_space<vmem>>) target(%dma_start3A_103 : memref<80x128xi32, #tpu.memory_space<hbm>>) target_semaphore(%arg38 : memref<!tpu.dma_semaphore, #tpu.memory_space<semaphore_mem>>)
    %dma_start3A_104 = tpu.memref_slice %arg9[%add3A_95] : memref<320000xi32, #tpu.memory_space<hbm>> -> memref<80xi32, #tpu.memory_space<hbm>>
    %dma_start3A_105 = tpu.memref_slice %arg9[%add3A_95] : memref<320000xi32, #tpu.memory_space<hbm>> -> memref<80xi32, #tpu.memory_space<hbm>>
    tpu.enqueue_dma source(%arg18 : memref<80xi32, #tpu.memory_space<vmem>>) target(%dma_start3A_105 : memref<80xi32, #tpu.memory_space<hbm>>) target_semaphore(%arg38 : memref<!tpu.dma_semaphore, #tpu.memory_space<semaphore_mem>>)
    %add3A_106 = arith.constant 9920 : i32
    %add3A_107 = arith.addi %mul3A_2, %add3A_106 : i32
    %dma_start3A_108 = tpu.memref_slice %arg5[%add3A_107] : memref<320000xi32, #tpu.memory_space<hbm>> -> memref<80xi32, #tpu.memory_space<hbm>>
    %dma_start3A_109 = tpu.memref_slice %arg5[%add3A_107] : memref<320000xi32, #tpu.memory_space<hbm>> -> memref<80xi32, #tpu.memory_space<hbm>>
    tpu.enqueue_dma source(%dma_start3A_109 : memref<80xi32, #tpu.memory_space<hbm>>) target(%arg10 : memref<80xi32, #tpu.memory_space<vmem>>) target_semaphore(%arg30 : memref<!tpu.dma_semaphore, #tpu.memory_space<semaphore_mem>>)
    %dma_start3A_110 = tpu.memref_slice %arg4[%add3A_107] : memref<320000xi32, #tpu.memory_space<hbm>> -> memref<80xi32, #tpu.memory_space<hbm>>
    %dma_start3A_111 = tpu.memref_slice %arg4[%add3A_107] : memref<320000xi32, #tpu.memory_space<hbm>> -> memref<80xi32, #tpu.memory_space<hbm>>
    tpu.enqueue_dma source(%dma_start3A_111 : memref<80xi32, #tpu.memory_space<hbm>>) target(%arg14 : memref<80xi32, #tpu.memory_space<vmem>>) target_semaphore(%arg30 : memref<!tpu.dma_semaphore, #tpu.memory_space<semaphore_mem>>)
    %dma_wait3A_112 = arith.constant 0 : i32
    %dma_wait3A_113 = tpu.memref_slice %arg7[%mul3A_2, %dma_wait3A_112] : memref<320000x128xi32, #tpu.memory_space<hbm>> -> memref<80x128xi32, #tpu.memory_space<hbm>>
    %dma_wait3A_114 = arith.constant 0 : i32
    %dma_wait3A_115 = tpu.memref_slice %arg7[%mul3A_2, %dma_wait3A_114] : memref<320000x128xi32, #tpu.memory_space<hbm>> -> memref<80x128xi32, #tpu.memory_space<hbm>>
    tpu.wait_dma2 semaphore(%arg38 : memref<!tpu.dma_semaphore, #tpu.memory_space<semaphore_mem>>) src(%arg22 : memref<80x128xi32, #tpu.memory_space<vmem>>) dst(%dma_wait3A_115 : memref<80x128xi32, #tpu.memory_space<hbm>>)
    %dma_wait3A_116 = arith.constant 0 : i32
    %dma_wait3A_117 = tpu.memref_slice %arg8[%mul3A_2, %dma_wait3A_116] : memref<320000x128xi32, #tpu.memory_space<hbm>> -> memref<80x128xi32, #tpu.memory_space<hbm>>
    %dma_wait3A_118 = arith.constant 0 : i32
    %dma_wait3A_119 = tpu.memref_slice %arg8[%mul3A_2, %dma_wait3A_118] : memref<320000x128xi32, #tpu.memory_space<hbm>> -> memref<80x128xi32, #tpu.memory_space<hbm>>
    tpu.wait_dma2 semaphore(%arg38 : memref<!tpu.dma_semaphore, #tpu.memory_space<semaphore_mem>>) src(%arg26 : memref<80x128xi32, #tpu.memory_space<vmem>>) dst(%dma_wait3A_119 : memref<80x128xi32, #tpu.memory_space<hbm>>)
    %dma_wait3A_120 = tpu.memref_slice %arg9[%mul3A_2] : memref<320000xi32, #tpu.memory_space<hbm>> -> memref<80xi32, #tpu.memory_space<hbm>>
    %dma_wait3A_121 = tpu.memref_slice %arg9[%mul3A_2] : memref<320000xi32, #tpu.memory_space<hbm>> -> memref<80xi32, #tpu.memory_space<hbm>>
    tpu.wait_dma2 semaphore(%arg38 : memref<!tpu.dma_semaphore, #tpu.memory_space<semaphore_mem>>) src(%arg18 : memref<80xi32, #tpu.memory_space<vmem>>) dst(%dma_wait3A_121 : memref<80xi32, #tpu.memory_space<hbm>>)
    %dma_wait3A_122 = tpu.memref_slice %arg5[%mul3A_2] : memref<320000xi32, #tpu.memory_space<hbm>> -> memref<80xi32, #tpu.memory_space<hbm>>
    %dma_wait3A_123 = tpu.memref_slice %arg5[%mul3A_2] : memref<320000xi32, #tpu.memory_space<hbm>> -> memref<80xi32, #tpu.memory_space<hbm>>
    tpu.wait_dma2 semaphore(%arg30 : memref<!tpu.dma_semaphore, #tpu.memory_space<semaphore_mem>>) src(%dma_wait3A_123 : memref<80xi32, #tpu.memory_space<hbm>>) dst(%arg10 : memref<80xi32, #tpu.memory_space<vmem>>)
    %dma_wait3A_124 = tpu.memref_slice %arg5[%mul3A_2] : memref<320000xi32, #tpu.memory_space<hbm>> -> memref<80xi32, #tpu.memory_space<hbm>>
    %dma_wait3A_125 = tpu.memref_slice %arg5[%mul3A_2] : memref<320000xi32, #tpu.memory_space<hbm>> -> memref<80xi32, #tpu.memory_space<hbm>>
    tpu.wait_dma2 semaphore(%arg30 : memref<!tpu.dma_semaphore, #tpu.memory_space<semaphore_mem>>) src(%dma_wait3A_125 : memref<80xi32, #tpu.memory_space<hbm>>) dst(%arg14 : memref<80xi32, #tpu.memory_space<vmem>>)
    %dma_start3A_126 = arith.constant 0 : i32
    %dma_start3A_127 = arith.constant 0 : i32
    %dma_start3A_128 = tpu.memref_slice %arg2[%dma_start3A_126, %dma_start3A_127] : memref<10000x128xi32, #tpu.memory_space<hbm>> -> memref<10000x128xi32, #tpu.memory_space<hbm>>
    tpu.enqueue_indirect_dma source(%dma_start3A_128 : memref<10000x128xi32, #tpu.memory_space<hbm>>) target(%arg22 : memref<80x128xi32, #tpu.memory_space<vmem>>) offsets(%arg10 : memref<80xi32, #tpu.memory_space<vmem>>) semaphore(%arg34 : memref<!tpu.dma_semaphore, #tpu.memory_space<semaphore_mem>>)
    %dma_start3A_129 = arith.constant 0 : i32
    %dma_start3A_130 = arith.constant 0 : i32
    %dma_start3A_131 = tpu.memref_slice %arg3[%dma_start3A_129, %dma_start3A_130] : memref<10000x128xi32, #tpu.memory_space<hbm>> -> memref<10000x128xi32, #tpu.memory_space<hbm>>
    tpu.enqueue_indirect_dma source(%dma_start3A_131 : memref<10000x128xi32, #tpu.memory_space<hbm>>) target(%arg26 : memref<80x128xi32, #tpu.memory_space<vmem>>) offsets(%arg14 : memref<80xi32, #tpu.memory_space<vmem>>) semaphore(%arg34 : memref<!tpu.dma_semaphore, #tpu.memory_space<semaphore_mem>>)
    %dma_start3A_132 = arith.constant 0 : i32
    %dma_start3A_133 = tpu.memref_slice %arg6[%dma_start3A_132] : memref<10000xi32, #tpu.memory_space<hbm>> -> memref<10000xi32, #tpu.memory_space<hbm>>
    tpu.enqueue_indirect_dma source(%dma_start3A_133 : memref<10000xi32, #tpu.memory_space<hbm>>) target(%arg18 : memref<80xi32, #tpu.memory_space<vmem>>) offsets(%arg10 : memref<80xi32, #tpu.memory_space<vmem>>) semaphore(%arg34 : memref<!tpu.dma_semaphore, #tpu.memory_space<semaphore_mem>>)
    %dma_wait3A_134 = arith.constant 0 : i32
    %dma_wait3A_135 = arith.constant 0 : i32
    %dma_wait3A_136 = tpu.memref_slice %arg2[%dma_wait3A_134, %dma_wait3A_135] : memref<10000x128xi32, #tpu.memory_space<hbm>> -> memref<80x128xi32, #tpu.memory_space<hbm>>
    %dma_wait3A_137 = arith.constant 0 : i32
    %dma_wait3A_138 = arith.constant 0 : i32
    %dma_wait3A_139 = tpu.memref_slice %arg2[%dma_wait3A_137, %dma_wait3A_138] : memref<10000x128xi32, #tpu.memory_space<hbm>> -> memref<80x128xi32, #tpu.memory_space<hbm>>
    tpu.wait_dma2 semaphore(%arg35 : memref<!tpu.dma_semaphore, #tpu.memory_space<semaphore_mem>>) src(%dma_wait3A_139 : memref<80x128xi32, #tpu.memory_space<hbm>>) dst(%arg23 : memref<80x128xi32, #tpu.memory_space<vmem>>)
    %dma_wait3A_140 = arith.constant 0 : i32
    %dma_wait3A_141 = arith.constant 0 : i32
    %dma_wait3A_142 = tpu.memref_slice %arg2[%dma_wait3A_140, %dma_wait3A_141] : memref<10000x128xi32, #tpu.memory_space<hbm>> -> memref<80x128xi32, #tpu.memory_space<hbm>>
    %dma_wait3A_143 = arith.constant 0 : i32
    %dma_wait3A_144 = arith.constant 0 : i32
    %dma_wait3A_145 = tpu.memref_slice %arg2[%dma_wait3A_143, %dma_wait3A_144] : memref<10000x128xi32, #tpu.memory_space<hbm>> -> memref<80x128xi32, #tpu.memory_space<hbm>>
    tpu.wait_dma2 semaphore(%arg35 : memref<!tpu.dma_semaphore, #tpu.memory_space<semaphore_mem>>) src(%dma_wait3A_145 : memref<80x128xi32, #tpu.memory_space<hbm>>) dst(%arg27 : memref<80x128xi32, #tpu.memory_space<vmem>>)
    %dma_wait3A_146 = arith.constant 0 : i32
    %dma_wait3A_147 = tpu.memref_slice %arg5[%dma_wait3A_146] : memref<320000xi32, #tpu.memory_space<hbm>> -> memref<80xi32, #tpu.memory_space<hbm>>
    %dma_wait3A_148 = arith.constant 0 : i32
    %dma_wait3A_149 = tpu.memref_slice %arg5[%dma_wait3A_148] : memref<320000xi32, #tpu.memory_space<hbm>> -> memref<80xi32, #tpu.memory_space<hbm>>
    tpu.wait_dma2 semaphore(%arg35 : memref<!tpu.dma_semaphore, #tpu.memory_space<semaphore_mem>>) src(%dma_wait3A_149 : memref<80xi32, #tpu.memory_space<hbm>>) dst(%arg19 : memref<80xi32, #tpu.memory_space<vmem>>)
    %add3A_150 = arith.constant 9680 : i32
    %add3A_151 = arith.addi %mul3A_2, %add3A_150 : i32
    %dma_start3A_152 = arith.constant 0 : i32
    %dma_start3A_153 = tpu.memref_slice %arg7[%add3A_151, %dma_start3A_152] : memref<320000x128xi32, #tpu.memory_space<hbm>> -> memref<80x128xi32, #tpu.memory_space<hbm>>
    %dma_start3A_154 = arith.constant 0 : i32
    %dma_start3A_155 = tpu.memref_slice %arg7[%add3A_151, %dma_start3A_154] : memref<320000x128xi32, #tpu.memory_space<hbm>> -> memref<80x128xi32, #tpu.memory_space<hbm>>
    tpu.enqueue_dma source(%arg23 : memref<80x128xi32, #tpu.memory_space<vmem>>) target(%dma_start3A_155 : memref<80x128xi32, #tpu.memory_space<hbm>>) target_semaphore(%arg39 : memref<!tpu.dma_semaphore, #tpu.memory_space<semaphore_mem>>)
    %dma_start3A_156 = arith.constant 0 : i32
    %dma_start3A_157 = tpu.memref_slice %arg8[%add3A_151, %dma_start3A_156] : memref<320000x128xi32, #tpu.memory_space<hbm>> -> memref<80x128xi32, #tpu.memory_space<hbm>>
    %dma_start3A_158 = arith.constant 0 : i32
    %dma_start3A_159 = tpu.memref_slice %arg8[%add3A_151, %dma_start3A_158] : memref<320000x128xi32, #tpu.memory_space<hbm>> -> memref<80x128xi32, #tpu.memory_space<hbm>>
    tpu.enqueue_dma source(%arg27 : memref<80x128xi32, #tpu.memory_space<vmem>>) target(%dma_start3A_159 : memref<80x128xi32, #tpu.memory_space<hbm>>) target_semaphore(%arg39 : memref<!tpu.dma_semaphore, #tpu.memory_space<semaphore_mem>>)
    %dma_start3A_160 = tpu.memref_slice %arg9[%add3A_151] : memref<320000xi32, #tpu.memory_space<hbm>> -> memref<80xi32, #tpu.memory_space<hbm>>
    %dma_start3A_161 = tpu.memref_slice %arg9[%add3A_151] : memref<320000xi32, #tpu.memory_space<hbm>> -> memref<80xi32, #tpu.memory_space<hbm>>
    tpu.enqueue_dma source(%arg19 : memref<80xi32, #tpu.memory_space<vmem>>) target(%dma_start3A_161 : memref<80xi32, #tpu.memory_space<hbm>>) target_semaphore(%arg39 : memref<!tpu.dma_semaphore, #tpu.memory_space<semaphore_mem>>)
    %dma_wait3A_162 = arith.constant 0 : i32
    %dma_wait3A_163 = arith.constant 0 : i32
    %dma_wait3A_164 = tpu.memref_slice %arg2[%dma_wait3A_162, %dma_wait3A_163] : memref<10000x128xi32, #tpu.memory_space<hbm>> -> memref<80x128xi32, #tpu.memory_space<hbm>>
    %dma_wait3A_165 = arith.constant 0 : i32
    %dma_wait3A_166 = arith.constant 0 : i32
    %dma_wait3A_167 = tpu.memref_slice %arg2[%dma_wait3A_165, %dma_wait3A_166] : memref<10000x128xi32, #tpu.memory_space<hbm>> -> memref<80x128xi32, #tpu.memory_space<hbm>>
    tpu.wait_dma2 semaphore(%arg36 : memref<!tpu.dma_semaphore, #tpu.memory_space<semaphore_mem>>) src(%dma_wait3A_167 : memref<80x128xi32, #tpu.memory_space<hbm>>) dst(%arg24 : memref<80x128xi32, #tpu.memory_space<vmem>>)
    %dma_wait3A_168 = arith.constant 0 : i32
    %dma_wait3A_169 = arith.constant 0 : i32
    %dma_wait3A_170 = tpu.memref_slice %arg2[%dma_wait3A_168, %dma_wait3A_169] : memref<10000x128xi32, #tpu.memory_space<hbm>> -> memref<80x128xi32, #tpu.memory_space<hbm>>
    %dma_wait3A_171 = arith.constant 0 : i32
    %dma_wait3A_172 = arith.constant 0 : i32
    %dma_wait3A_173 = tpu.memref_slice %arg2[%dma_wait3A_171, %dma_wait3A_172] : memref<10000x128xi32, #tpu.memory_space<hbm>> -> memref<80x128xi32, #tpu.memory_space<hbm>>
    tpu.wait_dma2 semaphore(%arg36 : memref<!tpu.dma_semaphore, #tpu.memory_space<semaphore_mem>>) src(%dma_wait3A_173 : memref<80x128xi32, #tpu.memory_space<hbm>>) dst(%arg28 : memref<80x128xi32, #tpu.memory_space<vmem>>)
    %dma_wait3A_174 = arith.constant 0 : i32
    %dma_wait3A_175 = tpu.memref_slice %arg5[%dma_wait3A_174] : memref<320000xi32, #tpu.memory_space<hbm>> -> memref<80xi32, #tpu.memory_space<hbm>>
    %dma_wait3A_176 = arith.constant 0 : i32
    %dma_wait3A_177 = tpu.memref_slice %arg5[%dma_wait3A_176] : memref<320000xi32, #tpu.memory_space<hbm>> -> memref<80xi32, #tpu.memory_space<hbm>>
    tpu.wait_dma2 semaphore(%arg36 : memref<!tpu.dma_semaphore, #tpu.memory_space<semaphore_mem>>) src(%dma_wait3A_177 : memref<80xi32, #tpu.memory_space<hbm>>) dst(%arg20 : memref<80xi32, #tpu.memory_space<vmem>>)
    %add3A_178 = arith.constant 9760 : i32
    %add3A_179 = arith.addi %mul3A_2, %add3A_178 : i32
    %dma_start3A_180 = arith.constant 0 : i32
    %dma_start3A_181 = tpu.memref_slice %arg7[%add3A_179, %dma_start3A_180] : memref<320000x128xi32, #tpu.memory_space<hbm>> -> memref<80x128xi32, #tpu.memory_space<hbm>>
    %dma_start3A_182 = arith.constant 0 : i32
    %dma_start3A_183 = tpu.memref_slice %arg7[%add3A_179, %dma_start3A_182] : memref<320000x128xi32, #tpu.memory_space<hbm>> -> memref<80x128xi32, #tpu.memory_space<hbm>>
    tpu.enqueue_dma source(%arg24 : memref<80x128xi32, #tpu.memory_space<vmem>>) target(%dma_start3A_183 : memref<80x128xi32, #tpu.memory_space<hbm>>) target_semaphore(%arg40 : memref<!tpu.dma_semaphore, #tpu.memory_space<semaphore_mem>>)
    %dma_start3A_184 = arith.constant 0 : i32
    %dma_start3A_185 = tpu.memref_slice %arg8[%add3A_179, %dma_start3A_184] : memref<320000x128xi32, #tpu.memory_space<hbm>> -> memref<80x128xi32, #tpu.memory_space<hbm>>
    %dma_start3A_186 = arith.constant 0 : i32
    %dma_start3A_187 = tpu.memref_slice %arg8[%add3A_179, %dma_start3A_186] : memref<320000x128xi32, #tpu.memory_space<hbm>> -> memref<80x128xi32, #tpu.memory_space<hbm>>
    tpu.enqueue_dma source(%arg28 : memref<80x128xi32, #tpu.memory_space<vmem>>) target(%dma_start3A_187 : memref<80x128xi32, #tpu.memory_space<hbm>>) target_semaphore(%arg40 : memref<!tpu.dma_semaphore, #tpu.memory_space<semaphore_mem>>)
    %dma_start3A_188 = tpu.memref_slice %arg9[%add3A_179] : memref<320000xi32, #tpu.memory_space<hbm>> -> memref<80xi32, #tpu.memory_space<hbm>>
    %dma_start3A_189 = tpu.memref_slice %arg9[%add3A_179] : memref<320000xi32, #tpu.memory_space<hbm>> -> memref<80xi32, #tpu.memory_space<hbm>>
    tpu.enqueue_dma source(%arg20 : memref<80xi32, #tpu.memory_space<vmem>>) target(%dma_start3A_189 : memref<80xi32, #tpu.memory_space<hbm>>) target_semaphore(%arg40 : memref<!tpu.dma_semaphore, #tpu.memory_space<semaphore_mem>>)
    %dma_wait3A_190 = arith.constant 0 : i32
    %dma_wait3A_191 = arith.constant 0 : i32
    %dma_wait3A_192 = tpu.memref_slice %arg2[%dma_wait3A_190, %dma_wait3A_191] : memref<10000x128xi32, #tpu.memory_space<hbm>> -> memref<80x128xi32, #tpu.memory_space<hbm>>
    %dma_wait3A_193 = arith.constant 0 : i32
    %dma_wait3A_194 = arith.constant 0 : i32
    %dma_wait3A_195 = tpu.memref_slice %arg2[%dma_wait3A_193, %dma_wait3A_194] : memref<10000x128xi32, #tpu.memory_space<hbm>> -> memref<80x128xi32, #tpu.memory_space<hbm>>
    tpu.wait_dma2 semaphore(%arg37 : memref<!tpu.dma_semaphore, #tpu.memory_space<semaphore_mem>>) src(%dma_wait3A_195 : memref<80x128xi32, #tpu.memory_space<hbm>>) dst(%arg25 : memref<80x128xi32, #tpu.memory_space<vmem>>)
    %dma_wait3A_196 = arith.constant 0 : i32
    %dma_wait3A_197 = arith.constant 0 : i32
    %dma_wait3A_198 = tpu.memref_slice %arg2[%dma_wait3A_196, %dma_wait3A_197] : memref<10000x128xi32, #tpu.memory_space<hbm>> -> memref<80x128xi32, #tpu.memory_space<hbm>>
    %dma_wait3A_199 = arith.constant 0 : i32
    %dma_wait3A_200 = arith.constant 0 : i32
    %dma_wait3A_201 = tpu.memref_slice %arg2[%dma_wait3A_199, %dma_wait3A_200] : memref<10000x128xi32, #tpu.memory_space<hbm>> -> memref<80x128xi32, #tpu.memory_space<hbm>>
    tpu.wait_dma2 semaphore(%arg37 : memref<!tpu.dma_semaphore, #tpu.memory_space<semaphore_mem>>) src(%dma_wait3A_201 : memref<80x128xi32, #tpu.memory_space<hbm>>) dst(%arg29 : memref<80x128xi32, #tpu.memory_space<vmem>>)
    %dma_wait3A_202 = arith.constant 0 : i32
    %dma_wait3A_203 = tpu.memref_slice %arg5[%dma_wait3A_202] : memref<320000xi32, #tpu.memory_space<hbm>> -> memref<80xi32, #tpu.memory_space<hbm>>
    %dma_wait3A_204 = arith.constant 0 : i32
    %dma_wait3A_205 = tpu.memref_slice %arg5[%dma_wait3A_204] : memref<320000xi32, #tpu.memory_space<hbm>> -> memref<80xi32, #tpu.memory_space<hbm>>
    tpu.wait_dma2 semaphore(%arg37 : memref<!tpu.dma_semaphore, #tpu.memory_space<semaphore_mem>>) src(%dma_wait3A_205 : memref<80xi32, #tpu.memory_space<hbm>>) dst(%arg21 : memref<80xi32, #tpu.memory_space<vmem>>)
    %add3A_206 = arith.constant 9840 : i32
    %add3A_207 = arith.addi %mul3A_2, %add3A_206 : i32
    %dma_start3A_208 = arith.constant 0 : i32
    %dma_start3A_209 = tpu.memref_slice %arg7[%add3A_207, %dma_start3A_208] : memref<320000x128xi32, #tpu.memory_space<hbm>> -> memref<80x128xi32, #tpu.memory_space<hbm>>
    %dma_start3A_210 = arith.constant 0 : i32
    %dma_start3A_211 = tpu.memref_slice %arg7[%add3A_207, %dma_start3A_210] : memref<320000x128xi32, #tpu.memory_space<hbm>> -> memref<80x128xi32, #tpu.memory_space<hbm>>
    tpu.enqueue_dma source(%arg25 : memref<80x128xi32, #tpu.memory_space<vmem>>) target(%dma_start3A_211 : memref<80x128xi32, #tpu.memory_space<hbm>>) target_semaphore(%arg41 : memref<!tpu.dma_semaphore, #tpu.memory_space<semaphore_mem>>)
    %dma_start3A_212 = arith.constant 0 : i32
    %dma_start3A_213 = tpu.memref_slice %arg8[%add3A_207, %dma_start3A_212] : memref<320000x128xi32, #tpu.memory_space<hbm>> -> memref<80x128xi32, #tpu.memory_space<hbm>>
    %dma_start3A_214 = arith.constant 0 : i32
    %dma_start3A_215 = tpu.memref_slice %arg8[%add3A_207, %dma_start3A_214] : memref<320000x128xi32, #tpu.memory_space<hbm>> -> memref<80x128xi32, #tpu.memory_space<hbm>>
    tpu.enqueue_dma source(%arg29 : memref<80x128xi32, #tpu.memory_space<vmem>>) target(%dma_start3A_215 : memref<80x128xi32, #tpu.memory_space<hbm>>) target_semaphore(%arg41 : memref<!tpu.dma_semaphore, #tpu.memory_space<semaphore_mem>>)
    %dma_start3A_216 = tpu.memref_slice %arg9[%add3A_207] : memref<320000xi32, #tpu.memory_space<hbm>> -> memref<80xi32, #tpu.memory_space<hbm>>
    %dma_start3A_217 = tpu.memref_slice %arg9[%add3A_207] : memref<320000xi32, #tpu.memory_space<hbm>> -> memref<80xi32, #tpu.memory_space<hbm>>
    tpu.enqueue_dma source(%arg21 : memref<80xi32, #tpu.memory_space<vmem>>) target(%dma_start3A_217 : memref<80xi32, #tpu.memory_space<hbm>>) target_semaphore(%arg41 : memref<!tpu.dma_semaphore, #tpu.memory_space<semaphore_mem>>)
    %dma_wait3A_218 = arith.constant 0 : i32
    %dma_wait3A_219 = arith.constant 0 : i32
    %dma_wait3A_220 = tpu.memref_slice %arg2[%dma_wait3A_218, %dma_wait3A_219] : memref<10000x128xi32, #tpu.memory_space<hbm>> -> memref<80x128xi32, #tpu.memory_space<hbm>>
    %dma_wait3A_221 = arith.constant 0 : i32
    %dma_wait3A_222 = arith.constant 0 : i32
    %dma_wait3A_223 = tpu.memref_slice %arg2[%dma_wait3A_221, %dma_wait3A_222] : memref<10000x128xi32, #tpu.memory_space<hbm>> -> memref<80x128xi32, #tpu.memory_space<hbm>>
    tpu.wait_dma2 semaphore(%arg34 : memref<!tpu.dma_semaphore, #tpu.memory_space<semaphore_mem>>) src(%dma_wait3A_223 : memref<80x128xi32, #tpu.memory_space<hbm>>) dst(%arg22 : memref<80x128xi32, #tpu.memory_space<vmem>>)
    %dma_wait3A_224 = arith.constant 0 : i32
    %dma_wait3A_225 = arith.constant 0 : i32
    %dma_wait3A_226 = tpu.memref_slice %arg2[%dma_wait3A_224, %dma_wait3A_225] : memref<10000x128xi32, #tpu.memory_space<hbm>> -> memref<80x128xi32, #tpu.memory_space<hbm>>
    %dma_wait3A_227 = arith.constant 0 : i32
    %dma_wait3A_228 = arith.constant 0 : i32
    %dma_wait3A_229 = tpu.memref_slice %arg2[%dma_wait3A_227, %dma_wait3A_228] : memref<10000x128xi32, #tpu.memory_space<hbm>> -> memref<80x128xi32, #tpu.memory_space<hbm>>
    tpu.wait_dma2 semaphore(%arg34 : memref<!tpu.dma_semaphore, #tpu.memory_space<semaphore_mem>>) src(%dma_wait3A_229 : memref<80x128xi32, #tpu.memory_space<hbm>>) dst(%arg26 : memref<80x128xi32, #tpu.memory_space<vmem>>)
    %dma_wait3A_230 = arith.constant 0 : i32
    %dma_wait3A_231 = tpu.memref_slice %arg5[%dma_wait3A_230] : memref<320000xi32, #tpu.memory_space<hbm>> -> memref<80xi32, #tpu.memory_space<hbm>>
    %dma_wait3A_232 = arith.constant 0 : i32
    %dma_wait3A_233 = tpu.memref_slice %arg5[%dma_wait3A_232] : memref<320000xi32, #tpu.memory_space<hbm>> -> memref<80xi32, #tpu.memory_space<hbm>>
    tpu.wait_dma2 semaphore(%arg34 : memref<!tpu.dma_semaphore, #tpu.memory_space<semaphore_mem>>) src(%dma_wait3A_233 : memref<80xi32, #tpu.memory_space<hbm>>) dst(%arg18 : memref<80xi32, #tpu.memory_space<vmem>>)
    %add3A_234 = arith.constant 9920 : i32
    %add3A_235 = arith.addi %mul3A_2, %add3A_234 : i32
    %dma_start3A_236 = arith.constant 0 : i32
    %dma_start3A_237 = tpu.memref_slice %arg7[%add3A_235, %dma_start3A_236] : memref<320000x128xi32, #tpu.memory_space<hbm>> -> memref<80x128xi32, #tpu.memory_space<hbm>>
    %dma_start3A_238 = arith.constant 0 : i32
    %dma_start3A_239 = tpu.memref_slice %arg7[%add3A_235, %dma_start3A_238] : memref<320000x128xi32, #tpu.memory_space<hbm>> -> memref<80x128xi32, #tpu.memory_space<hbm>>
    tpu.enqueue_dma source(%arg22 : memref<80x128xi32, #tpu.memory_space<vmem>>) target(%dma_start3A_239 : memref<80x128xi32, #tpu.memory_space<hbm>>) target_semaphore(%arg38 : memref<!tpu.dma_semaphore, #tpu.memory_space<semaphore_mem>>)
    %dma_start3A_240 = arith.constant 0 : i32
    %dma_start3A_241 = tpu.memref_slice %arg8[%add3A_235, %dma_start3A_240] : memref<320000x128xi32, #tpu.memory_space<hbm>> -> memref<80x128xi32, #tpu.memory_space<hbm>>
    %dma_start3A_242 = arith.constant 0 : i32
    %dma_start3A_243 = tpu.memref_slice %arg8[%add3A_235, %dma_start3A_242] : memref<320000x128xi32, #tpu.memory_space<hbm>> -> memref<80x128xi32, #tpu.memory_space<hbm>>
    tpu.enqueue_dma source(%arg26 : memref<80x128xi32, #tpu.memory_space<vmem>>) target(%dma_start3A_243 : memref<80x128xi32, #tpu.memory_space<hbm>>) target_semaphore(%arg38 : memref<!tpu.dma_semaphore, #tpu.memory_space<semaphore_mem>>)
    %dma_start3A_244 = tpu.memref_slice %arg9[%add3A_235] : memref<320000xi32, #tpu.memory_space<hbm>> -> memref<80xi32, #tpu.memory_space<hbm>>
    %dma_start3A_245 = tpu.memref_slice %arg9[%add3A_235] : memref<320000xi32, #tpu.memory_space<hbm>> -> memref<80xi32, #tpu.memory_space<hbm>>
    tpu.enqueue_dma source(%arg18 : memref<80xi32, #tpu.memory_space<vmem>>) target(%dma_start3A_245 : memref<80xi32, #tpu.memory_space<hbm>>) target_semaphore(%arg38 : memref<!tpu.dma_semaphore, #tpu.memory_space<semaphore_mem>>)
    %dma_wait3A_246 = arith.constant 0 : i32
    %dma_wait3A_247 = tpu.memref_slice %arg7[%mul3A_2, %dma_wait3A_246] : memref<320000x128xi32, #tpu.memory_space<hbm>> -> memref<80x128xi32, #tpu.memory_space<hbm>>
    %dma_wait3A_248 = arith.constant 0 : i32
    %dma_wait3A_249 = tpu.memref_slice %arg7[%mul3A_2, %dma_wait3A_248] : memref<320000x128xi32, #tpu.memory_space<hbm>> -> memref<80x128xi32, #tpu.memory_space<hbm>>
    tpu.wait_dma2 semaphore(%arg38 : memref<!tpu.dma_semaphore, #tpu.memory_space<semaphore_mem>>) src(%arg22 : memref<80x128xi32, #tpu.memory_space<vmem>>) dst(%dma_wait3A_249 : memref<80x128xi32, #tpu.memory_space<hbm>>)
    %dma_wait3A_250 = arith.constant 0 : i32
    %dma_wait3A_251 = tpu.memref_slice %arg8[%mul3A_2, %dma_wait3A_250] : memref<320000x128xi32, #tpu.memory_space<hbm>> -> memref<80x128xi32, #tpu.memory_space<hbm>>
    %dma_wait3A_252 = arith.constant 0 : i32
    %dma_wait3A_253 = tpu.memref_slice %arg8[%mul3A_2, %dma_wait3A_252] : memref<320000x128xi32, #tpu.memory_space<hbm>> -> memref<80x128xi32, #tpu.memory_space<hbm>>
    tpu.wait_dma2 semaphore(%arg38 : memref<!tpu.dma_semaphore, #tpu.memory_space<semaphore_mem>>) src(%arg26 : memref<80x128xi32, #tpu.memory_space<vmem>>) dst(%dma_wait3A_253 : memref<80x128xi32, #tpu.memory_space<hbm>>)
    %dma_wait3A_254 = tpu.memref_slice %arg9[%mul3A_2] : memref<320000xi32, #tpu.memory_space<hbm>> -> memref<80xi32, #tpu.memory_space<hbm>>
    %dma_wait3A_255 = tpu.memref_slice %arg9[%mul3A_2] : memref<320000xi32, #tpu.memory_space<hbm>> -> memref<80xi32, #tpu.memory_space<hbm>>
    tpu.wait_dma2 semaphore(%arg38 : memref<!tpu.dma_semaphore, #tpu.memory_space<semaphore_mem>>) src(%arg18 : memref<80xi32, #tpu.memory_space<vmem>>) dst(%dma_wait3A_255 : memref<80xi32, #tpu.memory_space<hbm>>)
    %dma_wait3A_256 = arith.constant 0 : i32
    %dma_wait3A_257 = tpu.memref_slice %arg7[%mul3A_2, %dma_wait3A_256] : memref<320000x128xi32, #tpu.memory_space<hbm>> -> memref<80x128xi32, #tpu.memory_space<hbm>>
    %dma_wait3A_258 = arith.constant 0 : i32
    %dma_wait3A_259 = tpu.memref_slice %arg7[%mul3A_2, %dma_wait3A_258] : memref<320000x128xi32, #tpu.memory_space<hbm>> -> memref<80x128xi32, #tpu.memory_space<hbm>>
    tpu.wait_dma2 semaphore(%arg39 : memref<!tpu.dma_semaphore, #tpu.memory_space<semaphore_mem>>) src(%arg23 : memref<80x128xi32, #tpu.memory_space<vmem>>) dst(%dma_wait3A_259 : memref<80x128xi32, #tpu.memory_space<hbm>>)
    %dma_wait3A_260 = arith.constant 0 : i32
    %dma_wait3A_261 = tpu.memref_slice %arg8[%mul3A_2, %dma_wait3A_260] : memref<320000x128xi32, #tpu.memory_space<hbm>> -> memref<80x128xi32, #tpu.memory_space<hbm>>
    %dma_wait3A_262 = arith.constant 0 : i32
    %dma_wait3A_263 = tpu.memref_slice %arg8[%mul3A_2, %dma_wait3A_262] : memref<320000x128xi32, #tpu.memory_space<hbm>> -> memref<80x128xi32, #tpu.memory_space<hbm>>
    tpu.wait_dma2 semaphore(%arg39 : memref<!tpu.dma_semaphore, #tpu.memory_space<semaphore_mem>>) src(%arg27 : memref<80x128xi32, #tpu.memory_space<vmem>>) dst(%dma_wait3A_263 : memref<80x128xi32, #tpu.memory_space<hbm>>)
    %dma_wait3A_264 = tpu.memref_slice %arg9[%mul3A_2] : memref<320000xi32, #tpu.memory_space<hbm>> -> memref<80xi32, #tpu.memory_space<hbm>>
    %dma_wait3A_265 = tpu.memref_slice %arg9[%mul3A_2] : memref<320000xi32, #tpu.memory_space<hbm>> -> memref<80xi32, #tpu.memory_space<hbm>>
    tpu.wait_dma2 semaphore(%arg39 : memref<!tpu.dma_semaphore, #tpu.memory_space<semaphore_mem>>) src(%arg19 : memref<80xi32, #tpu.memory_space<vmem>>) dst(%dma_wait3A_265 : memref<80xi32, #tpu.memory_space<hbm>>)
    %dma_wait3A_266 = arith.constant 0 : i32
    %dma_wait3A_267 = tpu.memref_slice %arg7[%mul3A_2, %dma_wait3A_266] : memref<320000x128xi32, #tpu.memory_space<hbm>> -> memref<80x128xi32, #tpu.memory_space<hbm>>
    %dma_wait3A_268 = arith.constant 0 : i32
    %dma_wait3A_269 = tpu.memref_slice %arg7[%mul3A_2, %dma_wait3A_268] : memref<320000x128xi32, #tpu.memory_space<hbm>> -> memref<80x128xi32, #tpu.memory_space<hbm>>
    tpu.wait_dma2 semaphore(%arg40 : memref<!tpu.dma_semaphore, #tpu.memory_space<semaphore_mem>>) src(%arg24 : memref<80x128xi32, #tpu.memory_space<vmem>>) dst(%dma_wait3A_269 : memref<80x128xi32, #tpu.memory_space<hbm>>)
    %dma_wait3A_270 = arith.constant 0 : i32
    %dma_wait3A_271 = tpu.memref_slice %arg8[%mul3A_2, %dma_wait3A_270] : memref<320000x128xi32, #tpu.memory_space<hbm>> -> memref<80x128xi32, #tpu.memory_space<hbm>>
    %dma_wait3A_272 = arith.constant 0 : i32
    %dma_wait3A_273 = tpu.memref_slice %arg8[%mul3A_2, %dma_wait3A_272] : memref<320000x128xi32, #tpu.memory_space<hbm>> -> memref<80x128xi32, #tpu.memory_space<hbm>>
    tpu.wait_dma2 semaphore(%arg40 : memref<!tpu.dma_semaphore, #tpu.memory_space<semaphore_mem>>) src(%arg28 : memref<80x128xi32, #tpu.memory_space<vmem>>) dst(%dma_wait3A_273 : memref<80x128xi32, #tpu.memory_space<hbm>>)
    %dma_wait3A_274 = tpu.memref_slice %arg9[%mul3A_2] : memref<320000xi32, #tpu.memory_space<hbm>> -> memref<80xi32, #tpu.memory_space<hbm>>
    %dma_wait3A_275 = tpu.memref_slice %arg9[%mul3A_2] : memref<320000xi32, #tpu.memory_space<hbm>> -> memref<80xi32, #tpu.memory_space<hbm>>
    tpu.wait_dma2 semaphore(%arg40 : memref<!tpu.dma_semaphore, #tpu.memory_space<semaphore_mem>>) src(%arg20 : memref<80xi32, #tpu.memory_space<vmem>>) dst(%dma_wait3A_275 : memref<80xi32, #tpu.memory_space<hbm>>)
    %dma_wait3A_276 = arith.constant 0 : i32
    %dma_wait3A_277 = tpu.memref_slice %arg7[%mul3A_2, %dma_wait3A_276] : memref<320000x128xi32, #tpu.memory_space<hbm>> -> memref<80x128xi32, #tpu.memory_space<hbm>>
    %dma_wait3A_278 = arith.constant 0 : i32
    %dma_wait3A_279 = tpu.memref_slice %arg7[%mul3A_2, %dma_wait3A_278] : memref<320000x128xi32, #tpu.memory_space<hbm>> -> memref<80x128xi32, #tpu.memory_space<hbm>>
    tpu.wait_dma2 semaphore(%arg41 : memref<!tpu.dma_semaphore, #tpu.memory_space<semaphore_mem>>) src(%arg25 : memref<80x128xi32, #tpu.memory_space<vmem>>) dst(%dma_wait3A_279 : memref<80x128xi32, #tpu.memory_space<hbm>>)
    %dma_wait3A_280 = arith.constant 0 : i32
    %dma_wait3A_281 = tpu.memref_slice %arg8[%mul3A_2, %dma_wait3A_280] : memref<320000x128xi32, #tpu.memory_space<hbm>> -> memref<80x128xi32, #tpu.memory_space<hbm>>
    %dma_wait3A_282 = arith.constant 0 : i32
    %dma_wait3A_283 = tpu.memref_slice %arg8[%mul3A_2, %dma_wait3A_282] : memref<320000x128xi32, #tpu.memory_space<hbm>> -> memref<80x128xi32, #tpu.memory_space<hbm>>
    tpu.wait_dma2 semaphore(%arg41 : memref<!tpu.dma_semaphore, #tpu.memory_space<semaphore_mem>>) src(%arg29 : memref<80x128xi32, #tpu.memory_space<vmem>>) dst(%dma_wait3A_283 : memref<80x128xi32, #tpu.memory_space<hbm>>)
    %dma_wait3A_284 = tpu.memref_slice %arg9[%mul3A_2] : memref<320000xi32, #tpu.memory_space<hbm>> -> memref<80xi32, #tpu.memory_space<hbm>>
    %dma_wait3A_285 = tpu.memref_slice %arg9[%mul3A_2] : memref<320000xi32, #tpu.memory_space<hbm>> -> memref<80xi32, #tpu.memory_space<hbm>>
    tpu.wait_dma2 semaphore(%arg41 : memref<!tpu.dma_semaphore, #tpu.memory_space<semaphore_mem>>) src(%arg21 : memref<80xi32, #tpu.memory_space<vmem>>) dst(%dma_wait3A_285 : memref<80xi32, #tpu.memory_space<hbm>>)
    return
  }
}

module attributes {stable_mosaic.version = 14 : i64} {
  func.func @_proj_body(%arg0: i32, %arg1: memref<2000x129xf32, #tpu.memory_space<vmem>>, %arg2: memref<129x256xf32, #tpu.memory_space<vmem>>, %arg3: memref<129x256xf32, #tpu.memory_space<vmem>>, %arg4: memref<129x1xf32, #tpu.memory_space<vmem>>, %arg5: memref<1x1x2000xi32, #tpu.memory_space<vmem>>, %arg6: memref<2000x128xi32, #tpu.memory_space<vmem>>, %arg7: memref<2000x128xi32, #tpu.memory_space<vmem>>, %arg8: memref<8x64xf32, #tpu.memory_space<vmem>>) attributes {dimension_semantics = [#tpu.dimension_semantics<arbitrary>], iteration_bounds = array<i64: 5>, scalar_prefetch = 0 : i64, scratch_operands = 0 : i64, tpu.core_type = #tpu.core_type<tc>, window_params = [{transform_indices = @transform_0, window_bounds = array<i64: 2000, 129>}, {pipeline_mode = #tpu.pipeline_mode<synchronous>, transform_indices = @transform_1, window_bounds = array<i64: 129, 256>}, {pipeline_mode = #tpu.pipeline_mode<synchronous>, transform_indices = @transform_2, window_bounds = array<i64: 129, 256>}, {pipeline_mode = #tpu.pipeline_mode<synchronous>, transform_indices = @transform_3, window_bounds = array<i64: 129, 1>}, {transform_indices = @transform_4, window_bounds = array<i64: 1, 1, 2000>}, {transform_indices = @transform_5, window_bounds = array<i64: 2000, 128>}, {transform_indices = @transform_6, window_bounds = array<i64: 2000, 128>}, {pipeline_mode = #tpu.pipeline_mode<synchronous>, transform_indices = @transform_7, window_bounds = array<i64: 8, 64>}]} {
    %get3A = arith.constant 0 : index
    %get3A_0 = arith.constant 0 : index
    %get3A_1 = vector.load %arg1[%get3A, %get3A_0] : memref<2000x129xf32, #tpu.memory_space<vmem>>, vector<2000x129xf32>
    %get3A_2 = arith.constant 0 : index
    %get3A_3 = arith.constant 0 : index
    %get3A_4 = vector.load %arg2[%get3A_2, %get3A_3] : memref<129x256xf32, #tpu.memory_space<vmem>>, vector<129x256xf32>
    %dot_general3A = arith.constant dense<0.000000e+00> : vector<2000x256xf32>
    %dot_general3A_5 = tpu.matmul %get3A_1, %get3A_4, %dot_general3A {dimension_numbers = #tpu.dot_dimension_numbers<[1], [0], [0], [1], [0, 0, 1, 1], [], []>, transpose_lhs_hint = false} : vector<2000x129xf32>, vector<129x256xf32>, vector<2000x256xf32> -> vector<2000x256xf32>
    %get3A_6 = arith.constant 0 : index
    %get3A_7 = arith.constant 0 : index
    %get3A_8 = vector.load %arg3[%get3A_6, %get3A_7] : memref<129x256xf32, #tpu.memory_space<vmem>>, vector<129x256xf32>
    %dot_general3A_9 = arith.constant dense<0.000000e+00> : vector<2000x256xf32>
    %dot_general3A_10 = tpu.matmul %get3A_1, %get3A_8, %dot_general3A_9 {dimension_numbers = #tpu.dot_dimension_numbers<[1], [0], [0], [1], [0, 0, 1, 1], [], []>, transpose_lhs_hint = false} : vector<2000x129xf32>, vector<129x256xf32>, vector<2000x256xf32> -> vector<2000x256xf32>
    %slice3A = vector.extract_strided_slice %dot_general3A_5 {offsets = [0, 0], sizes = [2000, 128], strides = [1, 1]} : vector<2000x256xf32> to vector<2000x128xf32>
    %slice3A_11 = vector.extract_strided_slice %dot_general3A_5 {offsets = [0, 128], sizes = [2000, 128], strides = [1, 1]} : vector<2000x256xf32> to vector<2000x128xf32>
    %convert_element_type3A = arith.truncf %slice3A : vector<2000x128xf32> to vector<2000x128xbf16>
    %bitcast_convert_type3A = tpu.bitcast %convert_element_type3A : vector<2000x128xbf16> -> vector<2000x128xi16>
    %convert_element_type3A_12 = arith.extui %bitcast_convert_type3A : vector<2000x128xi16> to vector<2000x128xi32>
    %convert_element_type3A_13 = arith.truncf %slice3A_11 : vector<2000x128xf32> to vector<2000x128xbf16>
    %bitcast_convert_type3A_14 = tpu.bitcast %convert_element_type3A_13 : vector<2000x128xbf16> -> vector<2000x128xi16>
    %convert_element_type3A_15 = arith.extui %bitcast_convert_type3A_14 : vector<2000x128xi16> to vector<2000x128xi32>
    %shift_left3A = arith.constant 16 : i32
    %shift_left3A_16 = vector.broadcast %shift_left3A : i32 to vector<2000x128xi32>
    %shift_left3A_17 = arith.shli %convert_element_type3A_15, %shift_left3A_16 : vector<2000x128xi32>
    %or3A = arith.ori %shift_left3A_17, %convert_element_type3A_12 : vector<2000x128xi32>
    %bitcast_convert_type3A_18 = tpu.bitcast %or3A : vector<2000x128xi32> -> vector<2000x128xi32>
    %swap3A = arith.constant 0 : index
    %swap3A_19 = arith.constant 0 : index
    %swap3A_20 = vector.load %arg6[%swap3A, %swap3A_19] : memref<2000x128xi32, #tpu.memory_space<vmem>>, vector<2000x128xi32>
    tpu.vector_store %arg6[%swap3A, %swap3A_19], %bitcast_convert_type3A_18 {strides = array<i32>} : memref<2000x128xi32, #tpu.memory_space<vmem>>, vector<2000x128xi32>,
    %slice3A_21 = vector.extract_strided_slice %dot_general3A_10 {offsets = [0, 0], sizes = [2000, 128], strides = [1, 1]} : vector<2000x256xf32> to vector<2000x128xf32>
    %slice3A_22 = vector.extract_strided_slice %dot_general3A_10 {offsets = [0, 128], sizes = [2000, 128], strides = [1, 1]} : vector<2000x256xf32> to vector<2000x128xf32>
    %convert_element_type3A_23 = arith.truncf %slice3A_21 : vector<2000x128xf32> to vector<2000x128xbf16>
    %bitcast_convert_type3A_24 = tpu.bitcast %convert_element_type3A_23 : vector<2000x128xbf16> -> vector<2000x128xi16>
    %convert_element_type3A_25 = arith.extui %bitcast_convert_type3A_24 : vector<2000x128xi16> to vector<2000x128xi32>
    %convert_element_type3A_26 = arith.truncf %slice3A_22 : vector<2000x128xf32> to vector<2000x128xbf16>
    %bitcast_convert_type3A_27 = tpu.bitcast %convert_element_type3A_26 : vector<2000x128xbf16> -> vector<2000x128xi16>
    %convert_element_type3A_28 = arith.extui %bitcast_convert_type3A_27 : vector<2000x128xi16> to vector<2000x128xi32>
    %shift_left3A_29 = arith.constant 16 : i32
    %shift_left3A_30 = vector.broadcast %shift_left3A_29 : i32 to vector<2000x128xi32>
    %shift_left3A_31 = arith.shli %convert_element_type3A_28, %shift_left3A_30 : vector<2000x128xi32>
    %or3A_32 = arith.ori %shift_left3A_31, %convert_element_type3A_25 : vector<2000x128xi32>
    %bitcast_convert_type3A_33 = tpu.bitcast %or3A_32 : vector<2000x128xi32> -> vector<2000x128xi32>
    %swap3A_34 = arith.constant 0 : index
    %swap3A_35 = arith.constant 0 : index
    %swap3A_36 = vector.load %arg7[%swap3A_34, %swap3A_35] : memref<2000x128xi32, #tpu.memory_space<vmem>>, vector<2000x128xi32>
    tpu.vector_store %arg7[%swap3A_34, %swap3A_35], %bitcast_convert_type3A_33 {strides = array<i32>} : memref<2000x128xi32, #tpu.memory_space<vmem>>, vector<2000x128xi32>,
    %get3A_37 = arith.constant 0 : index
    %get3A_38 = arith.constant 0 : index
    %get3A_39 = vector.load %arg4[%get3A_37, %get3A_38] : memref<129x1xf32, #tpu.memory_space<vmem>>, vector<129x1xf32>
    %dot_general3A_40 = arith.constant dense<0.000000e+00> : vector<2000x1xf32>
    %dot_general3A_41 = tpu.matmul %get3A_1, %get3A_39, %dot_general3A_40 {dimension_numbers = #tpu.dot_dimension_numbers<[1], [0], [0], [1], [0, 0, 1, 1], [], []>, transpose_lhs_hint = false} : vector<2000x129xf32>, vector<129x1xf32>, vector<2000x1xf32> -> vector<2000x1xf32>
    %get3A_42 = arith.constant 0 : index
    %get3A_43 = arith.constant 0 : index
    %get3A_44 = arith.constant 0 : index
    %get3A_45 = vector.load %arg5[%get3A_42, %get3A_43, %get3A_44] : memref<1x1x2000xi32, #tpu.memory_space<vmem>>, vector<1x1x2000xi32>
    %get3A_46 = vector.shape_cast %get3A_45 : vector<1x1x2000xi32> to vector<2000xi32>
    %broadcast_in_dim3A = vector.shape_cast %get3A_46 : vector<2000xi32> to vector<2000x1xi32>
    %iota3A = tpu.iota {dimensions = array<i32: 1>} : vector<1x64xi32>
    %eq3A = vector.broadcast %broadcast_in_dim3A : vector<2000x1xi32> to vector<2000x64xi32>
    %eq3A_47 = vector.broadcast %iota3A : vector<1x64xi32> to vector<2000x64xi32>
    %eq3A_48 = arith.cmpi eq, %eq3A, %eq3A_47 : vector<2000x64xi32>
    %convert_element_type3A_49 = arith.extui %eq3A_48 : vector<2000x64xi1> to vector<2000x64xi32>
    %convert_element_type3A_50 = arith.sitofp %convert_element_type3A_49 : vector<2000x64xi32> to vector<2000x64xf32>
    %dot_general3A_51 = arith.constant dense<0.000000e+00> : vector<1x64xf32>
    %dot_general3A_52 = tpu.matmul %dot_general3A_41, %convert_element_type3A_50, %dot_general3A_51 {dimension_numbers = #tpu.dot_dimension_numbers<[0], [0], [1], [1], [0, 1, 1, 1], [], []>, precision = #tpu.contract_precision<fp32>, transpose_lhs_hint = false} : vector<2000x1xf32>, vector<2000x64xf32>, vector<1x64xf32> -> vector<1x64xf32>
    %eq3A_53 = arith.constant 0 : i32
    %eq3A_54 = arith.cmpi eq, %arg0, %eq3A_53 : i32
    %convert_element_type3A_55 = arith.extui %eq3A_54 : i1 to i32
    %cond3A = arith.constant 0 : i32
    %cond3A_56 = arith.cmpi ne, %convert_element_type3A_55, %cond3A : i32
    scf.if %cond3A_56 {
      %broadcast_in_dim3A_65 = arith.constant 0.000000e+00 : f32
      %broadcast_in_dim3A_66 = vector.broadcast %broadcast_in_dim3A_65 : f32 to vector<8x64xf32>
      %swap3A_67 = arith.constant 0 : index
      %swap3A_68 = arith.constant 0 : index
      %swap3A_69 = vector.load %arg8[%swap3A_67, %swap3A_68] : memref<8x64xf32, #tpu.memory_space<vmem>>, vector<8x64xf32>
      tpu.vector_store %arg8[%swap3A_67, %swap3A_68], %broadcast_in_dim3A_66 {strides = array<i32>} : memref<8x64xf32, #tpu.memory_space<vmem>>, vector<8x64xf32>,
    } else {
    }
    %get3A_57 = arith.constant 0 : index
    %get3A_58 = arith.constant 0 : index
    %get3A_59 = vector.load %arg8[%get3A_57, %get3A_58] : memref<8x64xf32, #tpu.memory_space<vmem>>, vector<8x64xf32>
    %broadcast_in_dim3A_60 = vector.shape_cast %dot_general3A_52 : vector<1x64xf32> to vector<1x64xf32>
    %broadcast_in_dim3A_61 = vector.broadcast %broadcast_in_dim3A_60 : vector<1x64xf32> to vector<8x64xf32>
    %add3A = arith.addf %get3A_59, %broadcast_in_dim3A_61 : vector<8x64xf32>
    %swap3A_62 = arith.constant 0 : index
    %swap3A_63 = arith.constant 0 : index
    %swap3A_64 = vector.load %arg8[%swap3A_62, %swap3A_63] : memref<8x64xf32, #tpu.memory_space<vmem>>, vector<8x64xf32>
    tpu.vector_store %arg8[%swap3A_62, %swap3A_63], %add3A {strides = array<i32>} : memref<8x64xf32, #tpu.memory_space<vmem>>, vector<8x64xf32>,
    return
  }
  func.func @transform_0(%arg0: i32) -> (i32, i32) {
    %c0_i32 = arith.constant 0 : i32
    %c0_i32_0 = arith.constant 0 : i32
    return %arg0, %c0_i32 : i32, i32
  }
  func.func @transform_1(%arg0: i32) -> (i32, i32) {
    %c0_i32 = arith.constant 0 : i32
    %c0_i32_0 = arith.constant 0 : i32
    %c0_i32_1 = arith.constant 0 : i32
    return %c0_i32, %c0_i32_0 : i32, i32
  }
  func.func @transform_2(%arg0: i32) -> (i32, i32) {
    %c0_i32 = arith.constant 0 : i32
    %c0_i32_0 = arith.constant 0 : i32
    %c0_i32_1 = arith.constant 0 : i32
    return %c0_i32, %c0_i32_0 : i32, i32
  }
  func.func @transform_3(%arg0: i32) -> (i32, i32) {
    %c0_i32 = arith.constant 0 : i32
    %c0_i32_0 = arith.constant 0 : i32
    %c0_i32_1 = arith.constant 0 : i32
    return %c0_i32, %c0_i32_0 : i32, i32
  }
  func.func @transform_4(%arg0: i32) -> (i32, i32, i32) {
    %c0_i32 = arith.constant 0 : i32
    %c0_i32_0 = arith.constant 0 : i32
    %c0_i32_1 = arith.constant 0 : i32
    return %arg0, %c0_i32, %c0_i32_0 : i32, i32, i32
  }
  func.func @transform_5(%arg0: i32) -> (i32, i32) {
    %c0_i32 = arith.constant 0 : i32
    %c0_i32_0 = arith.constant 0 : i32
    return %arg0, %c0_i32 : i32, i32
  }
  func.func @transform_6(%arg0: i32) -> (i32, i32) {
    %c0_i32 = arith.constant 0 : i32
    %c0_i32_0 = arith.constant 0 : i32
    return %arg0, %c0_i32 : i32, i32
  }
  func.func @transform_7(%arg0: i32) -> (i32, i32) {
    %c0_i32 = arith.constant 0 : i32
    %c0_i32_0 = arith.constant 0 : i32
    %c0_i32_1 = arith.constant 0 : i32
    return %c0_i32, %c0_i32_0 : i32, i32
  }
}

module attributes {stable_mosaic.version = 14 : i64} {
  func.func @_edge_body(%arg0: i32, %arg1: memref<2000x128xi32, #tpu.memory_space<vmem>>, %arg2: memref<2000x128xi32, #tpu.memory_space<vmem>>, %arg3: memref<2000x16xf32, #tpu.memory_space<vmem>>, %arg4: memref<1x1x2000xi32, #tpu.memory_space<vmem>>, %arg5: memref<16x256xf32, #tpu.memory_space<vmem>>, %arg6: memref<128x1xf32, #tpu.memory_space<vmem>>, %arg7: memref<8x64xf32, #tpu.memory_space<vmem>>) attributes {dimension_semantics = [#tpu.dimension_semantics<arbitrary>], iteration_bounds = array<i64: 160>, scalar_prefetch = 0 : i64, scratch_operands = 0 : i64, tpu.core_type = #tpu.core_type<tc>, window_params = [{transform_indices = @transform_0, window_bounds = array<i64: 2000, 128>}, {transform_indices = @transform_1, window_bounds = array<i64: 2000, 128>}, {transform_indices = @transform_2, window_bounds = array<i64: 2000, 16>}, {transform_indices = @transform_3, window_bounds = array<i64: 1, 1, 2000>}, {pipeline_mode = #tpu.pipeline_mode<synchronous>, transform_indices = @transform_4, window_bounds = array<i64: 16, 256>}, {pipeline_mode = #tpu.pipeline_mode<synchronous>, transform_indices = @transform_5, window_bounds = array<i64: 128, 1>}, {pipeline_mode = #tpu.pipeline_mode<synchronous>, transform_indices = @transform_6, window_bounds = array<i64: 8, 64>}]} {
    %get3A = arith.constant 0 : index
    %get3A_0 = arith.constant 0 : index
    %get3A_1 = vector.load %arg3[%get3A, %get3A_0] : memref<2000x16xf32, #tpu.memory_space<vmem>>, vector<2000x16xf32>
    %get3A_2 = arith.constant 0 : index
    %get3A_3 = arith.constant 0 : index
    %get3A_4 = vector.load %arg5[%get3A_2, %get3A_3] : memref<16x256xf32, #tpu.memory_space<vmem>>, vector<16x256xf32>
    %dot_general3A = arith.constant dense<0.000000e+00> : vector<2000x256xf32>
    %dot_general3A_5 = tpu.matmul %get3A_1, %get3A_4, %dot_general3A {dimension_numbers = #tpu.dot_dimension_numbers<[1], [0], [0], [1], [0, 0, 1, 1], [], []>, transpose_lhs_hint = false} : vector<2000x16xf32>, vector<16x256xf32>, vector<2000x256xf32> -> vector<2000x256xf32>
    %get3A_6 = arith.constant 0 : index
    %get3A_7 = arith.constant 0 : index
    %get3A_8 = vector.load %arg1[%get3A_6, %get3A_7] : memref<2000x128xi32, #tpu.memory_space<vmem>>, vector<2000x128xi32>
    %bitcast_convert_type3A = tpu.bitcast %get3A_8 : vector<2000x128xi32> -> vector<2000x128xi32>
    %get3A_9 = arith.constant 0 : index
    %get3A_10 = arith.constant 0 : index
    %get3A_11 = vector.load %arg2[%get3A_9, %get3A_10] : memref<2000x128xi32, #tpu.memory_space<vmem>>, vector<2000x128xi32>
    %bitcast_convert_type3A_12 = tpu.bitcast %get3A_11 : vector<2000x128xi32> -> vector<2000x128xi32>
    %shift_left3A = arith.constant 16 : i32
    %shift_left3A_13 = vector.broadcast %shift_left3A : i32 to vector<2000x128xi32>
    %shift_left3A_14 = arith.shli %bitcast_convert_type3A, %shift_left3A_13 : vector<2000x128xi32>
    %bitcast_convert_type3A_15 = tpu.bitcast %shift_left3A_14 : vector<2000x128xi32> -> vector<2000x128xf32>
    %shift_left3A_16 = arith.constant 16 : i32
    %shift_left3A_17 = vector.broadcast %shift_left3A_16 : i32 to vector<2000x128xi32>
    %shift_left3A_18 = arith.shli %bitcast_convert_type3A_12, %shift_left3A_17 : vector<2000x128xi32>
    %bitcast_convert_type3A_19 = tpu.bitcast %shift_left3A_18 : vector<2000x128xi32> -> vector<2000x128xf32>
    %add3A = arith.addf %bitcast_convert_type3A_15, %bitcast_convert_type3A_19 : vector<2000x128xf32>
    %slice3A = vector.extract_strided_slice %dot_general3A_5 {offsets = [0, 0], sizes = [2000, 128], strides = [1, 1]} : vector<2000x256xf32> to vector<2000x128xf32>
    %add3A_20 = arith.addf %add3A, %slice3A : vector<2000x128xf32>
    %and3A = arith.constant -65536 : i32
    %and3A_21 = vector.broadcast %and3A : i32 to vector<2000x128xi32>
    %and3A_22 = arith.andi %bitcast_convert_type3A, %and3A_21 : vector<2000x128xi32>
    %bitcast_convert_type3A_23 = tpu.bitcast %and3A_22 : vector<2000x128xi32> -> vector<2000x128xf32>
    %and3A_24 = arith.constant -65536 : i32
    %and3A_25 = vector.broadcast %and3A_24 : i32 to vector<2000x128xi32>
    %and3A_26 = arith.andi %bitcast_convert_type3A_12, %and3A_25 : vector<2000x128xi32>
    %bitcast_convert_type3A_27 = tpu.bitcast %and3A_26 : vector<2000x128xi32> -> vector<2000x128xf32>
    %add3A_28 = arith.addf %bitcast_convert_type3A_23, %bitcast_convert_type3A_27 : vector<2000x128xf32>
    %slice3A_29 = vector.extract_strided_slice %dot_general3A_5 {offsets = [0, 128], sizes = [2000, 128], strides = [1, 1]} : vector<2000x256xf32> to vector<2000x128xf32>
    %add3A_30 = arith.addf %add3A_28, %slice3A_29 : vector<2000x128xf32>
    %logistic3A = arith.negf %add3A_20 : vector<2000x128xf32>
    %logistic3A_31 = math.exp %logistic3A : vector<2000x128xf32>
    %logistic3A_32 = arith.constant 1.000000e+00 : f32
    %logistic3A_33 = vector.broadcast %logistic3A_32 : f32 to vector<2000x128xf32>
    %logistic3A_34 = arith.addf %logistic3A_33, %logistic3A_31 : vector<2000x128xf32>
    %logistic3A_35 = arith.divf %logistic3A_33, %logistic3A_34 : vector<2000x128xf32>
    %max3A = arith.constant 0.000000e+00 : f32
    %max3A_36 = vector.broadcast %max3A : f32 to vector<2000x128xf32>
    %max3A_37 = arith.maximumf %add3A_30, %max3A_36 : vector<2000x128xf32>
    %abs3A = math.absf %add3A_30 : vector<2000x128xf32>
    %neg3A = arith.constant 0.000000e+00 : f32
    %neg3A_38 = vector.broadcast %neg3A : f32 to vector<2000x128xf32>
    %neg3A_39 = arith.subf %neg3A_38, %abs3A : vector<2000x128xf32>
    %exp3A = math.exp %neg3A_39 : vector<2000x128xf32>
    %log1p3A = math.log1p %exp3A : vector<2000x128xf32>
    %add3A_40 = arith.addf %max3A_37, %log1p3A : vector<2000x128xf32>
    %mul3A = arith.mulf %logistic3A_35, %add3A_40 : vector<2000x128xf32>
    %get3A_41 = arith.constant 0 : index
    %get3A_42 = arith.constant 0 : index
    %get3A_43 = vector.load %arg6[%get3A_41, %get3A_42] : memref<128x1xf32, #tpu.memory_space<vmem>>, vector<128x1xf32>
    %dot_general3A_44 = arith.constant dense<0.000000e+00> : vector<2000x1xf32>
    %dot_general3A_45 = tpu.matmul %mul3A, %get3A_43, %dot_general3A_44 {dimension_numbers = #tpu.dot_dimension_numbers<[1], [0], [0], [1], [0, 0, 1, 1], [], []>, transpose_lhs_hint = false} : vector<2000x128xf32>, vector<128x1xf32>, vector<2000x1xf32> -> vector<2000x1xf32>
    %get3A_46 = arith.constant 0 : index
    %get3A_47 = arith.constant 0 : index
    %get3A_48 = arith.constant 0 : index
    %get3A_49 = vector.load %arg4[%get3A_46, %get3A_47, %get3A_48] : memref<1x1x2000xi32, #tpu.memory_space<vmem>>, vector<1x1x2000xi32>
    %get3A_50 = vector.shape_cast %get3A_49 : vector<1x1x2000xi32> to vector<2000xi32>
    %broadcast_in_dim3A = vector.shape_cast %get3A_50 : vector<2000xi32> to vector<2000x1xi32>
    %iota3A = tpu.iota {dimensions = array<i32: 1>} : vector<1x64xi32>
    %eq3A = vector.broadcast %broadcast_in_dim3A : vector<2000x1xi32> to vector<2000x64xi32>
    %eq3A_51 = vector.broadcast %iota3A : vector<1x64xi32> to vector<2000x64xi32>
    %eq3A_52 = arith.cmpi eq, %eq3A, %eq3A_51 : vector<2000x64xi32>
    %convert_element_type3A = arith.extui %eq3A_52 : vector<2000x64xi1> to vector<2000x64xi32>
    %convert_element_type3A_53 = arith.sitofp %convert_element_type3A : vector<2000x64xi32> to vector<2000x64xf32>
    %dot_general3A_54 = arith.constant dense<0.000000e+00> : vector<1x64xf32>
    %dot_general3A_55 = tpu.matmul %dot_general3A_45, %convert_element_type3A_53, %dot_general3A_54 {dimension_numbers = #tpu.dot_dimension_numbers<[0], [0], [1], [1], [0, 1, 1, 1], [], []>, precision = #tpu.contract_precision<fp32>, transpose_lhs_hint = false} : vector<2000x1xf32>, vector<2000x64xf32>, vector<1x64xf32> -> vector<1x64xf32>
    %eq3A_56 = arith.constant 0 : i32
    %eq3A_57 = arith.cmpi eq, %arg0, %eq3A_56 : i32
    %convert_element_type3A_58 = arith.extui %eq3A_57 : i1 to i32
    %cond3A = arith.constant 0 : i32
    %cond3A_59 = arith.cmpi ne, %convert_element_type3A_58, %cond3A : i32
    scf.if %cond3A_59 {
      %broadcast_in_dim3A_68 = arith.constant 0.000000e+00 : f32
      %broadcast_in_dim3A_69 = vector.broadcast %broadcast_in_dim3A_68 : f32 to vector<8x64xf32>
      %swap3A_70 = arith.constant 0 : index
      %swap3A_71 = arith.constant 0 : index
      %swap3A_72 = vector.load %arg7[%swap3A_70, %swap3A_71] : memref<8x64xf32, #tpu.memory_space<vmem>>, vector<8x64xf32>
      tpu.vector_store %arg7[%swap3A_70, %swap3A_71], %broadcast_in_dim3A_69 {strides = array<i32>} : memref<8x64xf32, #tpu.memory_space<vmem>>, vector<8x64xf32>,
    } else {
    }
    %get3A_60 = arith.constant 0 : index
    %get3A_61 = arith.constant 0 : index
    %get3A_62 = vector.load %arg7[%get3A_60, %get3A_61] : memref<8x64xf32, #tpu.memory_space<vmem>>, vector<8x64xf32>
    %broadcast_in_dim3A_63 = vector.shape_cast %dot_general3A_55 : vector<1x64xf32> to vector<1x64xf32>
    %broadcast_in_dim3A_64 = vector.broadcast %broadcast_in_dim3A_63 : vector<1x64xf32> to vector<8x64xf32>
    %add3A_65 = arith.addf %get3A_62, %broadcast_in_dim3A_64 : vector<8x64xf32>
    %swap3A = arith.constant 0 : index
    %swap3A_66 = arith.constant 0 : index
    %swap3A_67 = vector.load %arg7[%swap3A, %swap3A_66] : memref<8x64xf32, #tpu.memory_space<vmem>>, vector<8x64xf32>
    tpu.vector_store %arg7[%swap3A, %swap3A_66], %add3A_65 {strides = array<i32>} : memref<8x64xf32, #tpu.memory_space<vmem>>, vector<8x64xf32>,
    return
  }
  func.func @transform_0(%arg0: i32) -> (i32, i32) {
    %c0_i32 = arith.constant 0 : i32
    %c0_i32_0 = arith.constant 0 : i32
    return %arg0, %c0_i32 : i32, i32
  }
  func.func @transform_1(%arg0: i32) -> (i32, i32) {
    %c0_i32 = arith.constant 0 : i32
    %c0_i32_0 = arith.constant 0 : i32
    return %arg0, %c0_i32 : i32, i32
  }
  func.func @transform_2(%arg0: i32) -> (i32, i32) {
    %c0_i32 = arith.constant 0 : i32
    %c0_i32_0 = arith.constant 0 : i32
    return %arg0, %c0_i32 : i32, i32
  }
  func.func @transform_3(%arg0: i32) -> (i32, i32, i32) {
    %c0_i32 = arith.constant 0 : i32
    %c0_i32_0 = arith.constant 0 : i32
    %c0_i32_1 = arith.constant 0 : i32
    return %arg0, %c0_i32, %c0_i32_0 : i32, i32, i32
  }
  func.func @transform_4(%arg0: i32) -> (i32, i32) {
    %c0_i32 = arith.constant 0 : i32
    %c0_i32_0 = arith.constant 0 : i32
    %c0_i32_1 = arith.constant 0 : i32
    return %c0_i32, %c0_i32_0 : i32, i32
  }
  func.func @transform_5(%arg0: i32) -> (i32, i32) {
    %c0_i32 = arith.constant 0 : i32
    %c0_i32_0 = arith.constant 0 : i32
    %c0_i32_1 = arith.constant 0 : i32
    return %c0_i32, %c0_i32_0 : i32, i32
  }
  func.func @transform_6(%arg0: i32) -> (i32, i32) {
    %c0_i32 = arith.constant 0 : i32
    %c0_i32_0 = arith.constant 0 : i32
    %c0_i32_1 = arith.constant 0 : i32
    return %c0_i32, %c0_i32_0 : i32, i32
  }
}

</mosaic_0001>

<sc_bundles>
// kernel: kernel.5.cloned.1.call-start
scs
__scs_entry_jumppad:
0x0: {  	(pc) =	sbr.rel $0x88, $3  }
0x1: {  	(tag) =	ssettag $0x0;
	lr =	simm.s32 $0x1  }
0x2: {  	[smem:$0x3F97] =	sst lr;
	_ =	strace $0xD0000000  }
0x3: {  	_ = 	snop  }
0x4: {  	_ = 	snop  }
0x5: {  	_ = 	snop  }
0x6: {  	_ = 	snop  }
0x7: {  	_ = 	snop  }
__scs_overlays_trampoline_lowered:
0x8: {  	[smem:$0x3FA6] =	sst s0  }
0x9: {  	[smem:$0x3FA7] =	sst s1  }
0xa: {  	[smem:$0x3FA8] =	sst s2  }
0xb: {  	[smem:$0x3FA9] =	sst s3  }
0xc: {  	[smem:$0x3FAA] =	sst s4  }
0xd: {  	[smem:$0x3FAB] =	sst s5  }
0xe: {  	[smem:$0x3FAC] =	sst s6  }
0xf: {  	[smem:$0x3FAD] =	sst s7  }
0x10: {  	[smem:$0x3FAE] =	sst s8  }
0x11: {  	[smem:$0x3FAF] =	sst s9;
	s0 =	simm.s32 @!p0 $0x0  }
0x12: {  	s1 =	sld [smem:$0x3F95];
	s0 =	simm.s32 @p0 $0x1  }
0x13: {  	[smem:$0x3FB0] =	sst s0;
	s0 =	simm.s32 @!p1 $0x0  }
0x14: {  	s2 =	sld [smem:$0x3F94];
	s0 =	simm.s32 @p1 $0x1  }
0x15: {  	[smem:$0x3FB1] =	sst s0;
	s0 =	simm.s32 @!p2 $0x0  }
0x16: {  	s3 =	sld [smem:$0x3FDB];
	s0 =	simm.s32 @p2 $0x1  }
0x17: {  	s4 =	simm.s32 $0x1BF5;
	[smem:$0x3FB3] =	sst s0  }
0x18: {  	s0 =	sld [smem:$0x3F96];
	_ =	swait.ge [sflag:s4], $0x0  }
0x19: {  	s7 =	sld [smem:$0x3F97]  }
0x1a: {  	s8 =	sadd.s32 $0xFFFFE003, lr  }
0x1b: {  	s9 =	sadd.s32 $0xFFFFFEF7, lr;
	s5 =	simm.s32 $0xFFFFFFFF;
	p2 =	slt.u32 s8, $0xFFFFF086  }
0x1c: {  	p1 =	slt.u32 s9, $0xF7A;
	s5 =	simm.s32 @!p2 $0x0  }
0x1d: {  	s5 =	simm.s32 @p1 $0x1;
	p0 =	seq.s32 s7, s2  }
0x1e: {  	s7 =	smul.u32 @!p0 $0xF7A, s2;
	p2 =	seq.s32 @!p0 s5, $0x0  }
0x1f: {  	s9 =	smul.u32 $0xF7A, s1;
	s8 =	simm.s32 @!p0 $0x1BF5;
	p2 =	por !p2, p0  }
0x20: {  	[sflag:s8] =	ssyncset.s32 @!p0 $0xFFFFF086;
	s6 =	sadd.s32 @!p0 s3, s7;
	s7 =	simm.s32 @!p0 $0x108  }
0x21: {  	s3 =	sadd.s32 s3, s9;
	s6 =	sadd.s32 @!p0 $0x88, s6;
	s7 =	simm.s32 @p2 $0x1082  }
0x22: {  	[simem:s7], [sflag:s8] =	dma.local @!p0 [hbm:s6], $0xF7A  }
0x23: {  	s9 =	sor.u32 $0xD0000000, s2;
	s6 =	simm.s32 $0x108;
	_ =	swait.ge @!p0 [sflag:s8], $0x0  }
0x24: {  	s3 =	sadd.s32 $0x88, s3;
	s6 =	simm.s32 @!p1 $0x1082;
	[sflag:s4] =	ssyncset.s32 $0xFFFFF086  }
0x25: {  	[simem:s6], [sflag:s4] =	dma.local [hbm:s3], $0xF7A  }
0x26: {  	[smem:$0x3F97] =	sst s1;
	(tag) =	ssettag s2;
	_ =	strace s9  }
0x27: {  	s1 =	sld [smem:$0x3FA7]  }
0x28: {  	s2 =	sld [smem:$0x3FA8]  }
0x29: {  	s4 =	sld [smem:$0x3FAA]  }
0x2a: {  	p0 =	seq.s32 s5, $0x0;
	s5 =	sld [smem:$0x3FAB]  }
0x2b: {  	s6 =	sld [smem:$0x3FAC]  }
0x2c: {  	s7 =	sld [smem:$0x3FAD]  }
0x2d: {  	s3 =	simm.s32 $0x108;
	s8 =	sld [smem:$0x3FAE]  }
0x2e: {  	s3 =	simm.s32 @!p0 $0x1082;
	s9 =	sld [smem:$0x3FAF]  }
0x2f: {  	lr =	sadd.s32 s0, s3;
	s0 =	sld [smem:$0x3FA6]  }
0x30: {  	s3 =	sld [smem:$0x3FA9]  }
0x31: {  	[smem:$0x3FB2] =	sst s10  }
0x32: {  	s10 =	sld [smem:$0x3FB0];
	_ =	sdelay $0x3  }
0x33: {  	p0 =	seq.s32 s10, $0x1;
	s10 =	sld [smem:$0x3FB2];
	_ =	sdelay $0x3  }
0x34: {  	[smem:$0x3FB2] =	sst s10  }
0x35: {  	s10 =	sld [smem:$0x3FB1];
	_ =	sdelay $0x3  }
0x36: {  	p1 =	seq.s32 s10, $0x1;
	s10 =	sld [smem:$0x3FB2];
	_ =	sdelay $0x3  }
0x37: {  	[smem:$0x3FB2] =	sst s10  }
0x38: {  	s10 =	sld [smem:$0x3FB3]  }
0x39: {  	_ = 	snop;
	(pc) =	sbr.ind lr, $3  }
0x3a: {  	_ = 	snop  }
0x3b: {  	_ = 	snop  }
0x3c: {  	p2 =	seq.s32 s10, $0x1;
	s10 =	sld [smem:$0x3FB2]  }
0x3d: {  	_ =	shalt  }
0x3e: {  	_ =	shalt  }
0x3f: {  	_ =	shalt  }
0x40: {  	_ =	shalt  }
0x41: {  	_ =	shalt  }
0x42: {  	_ =	shalt  }
0x43: {  	_ =	shalt  }
0x44: {  	_ =	shalt  }
0x45: {  	_ =	shalt  }
0x46: {  	_ =	shalt  }
0x47: {  	_ =	shalt  }
0x48: {  	_ =	shalt  }
0x49: {  	_ =	shalt  }
0x4a: {  	_ =	shalt  }
0x4b: {  	_ =	shalt  }
0x4c: {  	_ =	shalt  }
0x4d: {  	_ =	shalt  }
0x4e: {  	_ =	shalt  }
0x4f: {  	_ =	shalt  }
0x50: {  	_ =	shalt  }
0x51: {  	_ =	shalt  }
0x52: {  	_ =	shalt  }
0x53: {  	_ =	shalt  }
0x54: {  	_ =	shalt  }
0x55: {  	_ =	shalt  }
0x56: {  	_ =	shalt  }
0x57: {  	_ =	shalt  }
0x58: {  	_ =	shalt  }
0x59: {  	_ =	shalt  }
0x5a: {  	_ =	shalt  }
0x5b: {  	_ =	shalt  }
0x5c: {  	_ =	shalt  }
0x5d: {  	_ =	shalt  }
0x5e: {  	_ =	shalt  }
0x5f: {  	_ =	shalt  }
0x60: {  	_ =	shalt  }
0x61: {  	_ =	shalt  }
0x62: {  	_ =	shalt  }
0x63: {  	_ =	shalt  }
0x64: {  	_ =	shalt  }
0x65: {  	_ =	shalt  }
0x66: {  	_ =	shalt  }
0x67: {  	_ =	shalt  }
0x68: {  	_ =	shalt  }
0x69: {  	_ =	shalt  }
0x6a: {  	_ =	shalt  }
0x6b: {  	_ =	shalt  }
0x6c: {  	_ =	shalt  }
0x6d: {  	_ =	shalt  }
0x6e: {  	_ =	shalt  }
0x6f: {  	_ =	shalt  }
0x70: {  	_ =	shalt  }
0x71: {  	_ =	shalt  }
0x72: {  	_ =	shalt  }
0x73: {  	_ =	shalt  }
0x74: {  	_ =	shalt  }
0x75: {  	_ =	shalt  }
0x76: {  	_ =	shalt  }
0x77: {  	_ =	shalt  }
0x78: {  	_ =	shalt  }
0x79: {  	_ =	shalt  }
0x7a: {  	_ =	shalt  }
0x7b: {  	_ =	shalt  }
0x7c: {  	_ =	shalt  }
0x7d: {  	_ =	shalt  }
0x7e: {  	_ =	shalt  }
0x7f: {  	_ =	shalt  }
0x80: {  	_ =	shalt  }
0x81: {  	_ =	shalt  }
0x82: {  	_ =	shalt  }
0x83: {  	_ =	shalt  }
0x84: {  	_ =	shalt  }
0x85: {  	_ =	shalt  }
0x86: {  	_ =	shalt  }
0x87: {  	_ =	shalt  }
.Lfunc_end0:
.L_simem_size_0:
called_computation_lowered:
.L_overlay_start_0:
0x88: {  	s2 =	sld [smem:$0x3FD9]  }
0x89: {  	s3 =	sld [smem:$0x3FFE];
	_ =	sdelay $0x1  }
0x8a: {  	s1 =	srdreg.scid  }
0x8b: {  	s0 =	sand.u32 $0x1, s1  }
0x8c: {  	s17 =	sshll.u32 s0, $0xA;
	s2 =	sadd.s32 s3, s2  }
0x8d: {  	s2 =	sadd.s32 s2, s17  }
0x8e: {  	[smem:$0x3FBE] =	sst s2  }
0x8f: {  	_ = 	snop  }
0x90: {  	s2 =	sld [smem:$0x3FC6];
	(tm) =	ssettm $0x1  }
0x91: {  	s18 =	sld [smem:$0x3FFB];
	_ =	sdelay $0x3  }
0x92: {  	_ =	strace s18  }
0x93: {  	s3 =	sld [smem:$0x3FFC];
	_ =	sdelay $0x3  }
0x94: {  	_ =	strace s3  }
0x95: {  	s3 =	sld [smem:$0x3FFD];
	_ =	sdelay $0x3  }
0x96: {  	_ =	strace s3  }
0x97: {  	_ =	strace $0x8FFFFFFF  }
0x98: {  	s19 =	sld [smem:$0x3FDB];
	_ =	sdelay $0x1  }
0x99: {  	s4 =	simm.s32 $_scs_section_size  }
0x9a: {  	s5 =	simm.s32 $_size__tile_overlayer_lowered;
	s6 =	simm.s32 $_tile_overlayer_lowered  }
0x9b: {  	s22 =	simm.s32 $0x1BFF;
	s21 =	sshll.u32 s6, $0x1;
	s3 =	sadd.s32 s4, s19  }
0x9c: {  	s7 =	simm.s32 $0x0;
	s20 =	sshll.u32 s5, $0x1;
	s5 =	sadd.s32 s21, s3  }
0x9d: {  	[timem:s7], [sflag:s22] =	dma.local [hbm:s5], s20  }
0x9e: {  	_ =	swait.ge [sflag:s22], s20  }
0x9f: {  	s4 =	ssub.s32 $0x0, s20;
	[sflag:s22] =	ssyncset.done $0x0  }
0xa0: {  	[sflag:s22] =	ssyncadd.s32 s4;
	_ =	sdelay $0x1  }
0xa1: {  	s23 =	simm.s32 $0x1B8B  }
0xa2: {  	_ =	swait.ge [sflag:s23], $0x1  }
0xa3: {  	[sflag:s23] =	ssyncset.done $0x0  }
0xa4: {  	s25 =	simm.s32 $0x1B8E;
	s24 =	sld [smem:$0x3FFE];
	[sflag:s23] =	ssyncadd.s32 $0xFFFFFFFF  }
0xa5: {  	s26 =	simm.s32 $execute0_lowered;
	[smem:$0x3FD2] =	sst s25  }
0xa6: {  	s5 =	sshll.u32 s26, $0x1;
	_ =	strace $0x80000046;
	[dreg:$0x1] =	wrdreg $0xFFFFFFFF  }
0xa7: {  	s28 =	simm.s32 $_size_execute0_lowered;
	s3 =	sadd.s32 s3, s5;
	[dreg:$0x0] =	wrdreg $0x0  }
0xa8: {  	s5 =	sshll.u32 s28, $0x1;
	[dreg:$0x2] =	wrdreg s3  }
0xa9: {  	[dreg:$0x3] =	wrdreg s5  }
0xaa: {  	[dreg:$0x4] =	wrdreg $0xC0  }
0xab: {  	_ =	task [dreg:s7], $0x5FFFF  }
0xac: {  	[dreg:$0x1] =	wrdreg $0xFFFFFFFF  }
0xad: {  	[dreg:$0x0] =	wrdreg $0x60  }
0xae: {  	[dreg:$0x2] =	wrdreg s24  }
0xaf: {  	[dreg:$0x3] =	wrdreg s2  }
0xb0: {  	[dreg:$0x4] =	wrdreg $0x9  }
0xb1: {  	_ =	task.clear_ibuf [dreg:s7], $0x5FFFF;
	_ =	strace $0x90000046  }
0xb2: {  	s29 =	simm.s32 $0x9;
	_ =	strace $0x80000048  }
0xb3: {  	_ =	swait.ge [sflag:s29], $0x1  }
0xb4: {  	[sflag:s29] =	ssyncadd.s32 $0xFFFFFFFF  }
0xb5: {  	_ =	strace $0x90000048  }
0xb6: {  	_ =	sfence  }
0xb7: {  	s30 =	sld [smem:$0x0];
	_ =	sdelay $0x2  }
0xb8: {  	s31 =	sshll.u32 s1, $0xD;
	s1 =	sshrl.u32 s1, $0x2  }
0xb9: {  	s3 =	sand.u32 $0x4000, s31;
	s1 =	sadd.s32 s1, s30  }
0xba: {  	s0 =	sor.u32 s3, s0;
	s1 =	sshll.u32 s1, $0x11  }
0xbb: {  	s0 =	sor.u32 s1, s0  }
0xbc: {  	s0 =	sadd.s32 $0x8F2B, s0  }
0xbd: {  	[sflag:s0] =	ssyncadd.remote.s32 $0x1  }
0xbe: {  	_ =	sfence.sel $0xFFFF  }
0xbf: {  	[dreg:$0x0] =	wrdreg $0xFFFFFFFF;
	(pc) =	sbr.abs _section_cstart, $3  }
0xc0: {  	[dreg:$0x1] =	wrdreg $0xFFFFFFFF  }
0xc1: {  	_ =	task.clear_ibuf [dreg:s7], $0x2FFFF;
	_ =	strace $0x9FFFFFFF  }
0xc2: {  	(tm) =	ssettm $0x7FFFFFFF  }
0xc3: {  	_ =	shalt  }
tec
execute0_lowered:
.L_overlay_start_1:
0x0: {  	(tag) =	ssettag $0x1  }
0x1: {  	s6 =	rddreg [dreg:$0x0]  }
0x2: {  	s0 =	srdreg.scid;
	s18 =	stileid.u32;
	s3 =	simm.s32 $0x0  }
0x3: {  	s28 =	simm.s32 $0x380;
	s0 =	sand.u32 $0x1, s0;
	s1 =	sshll.u32 s18, $0x1  }
0x4: {  	[smem:$0x7FF] =	sst s3;
	s20 =	sadd.s32 $0xD000, s6;
	s21 =	sadd.s32 $0x3200, s6  }
0x5: {  	s4 =	smul.u32 $0x4E20, s18;
	s12 =	sadd.s32 $0x6F200, s6;
	s13 =	sadd.s32 $0x551200, s6  }
0x6: {  	s1 =	sor.u32 s0, s1;
	s23 =	ssub.s32 $0x2, s0;
	s8 =	smul.u32 $0x2710, s0  }
0x7: {  	s5 =	sadd.s32 $0x65400, s6;
	s11 =	smul.u32 $0x2710, s1;
	s7 =	sshrl.u32 s23, $0x1  }
0x8: {  	_ =	strace $0x80000047;
	s1 =	ssub.s32 s23, s7;
	s4 =	sadd.s32 s8, s4  }
0x9: {  	s7 =	sadd.s32 $0x2580, s11;
	s10 =	sshrl.u32 s11, $0x3;
	s9 =	sadd.s32 $0x230, s4  }
0xa: {  	s26 =	sadd.s32 $0xF0, s4;
	s17 =	sadd.s32 $0x1E0, s4;
	s1 =	smax.u32 s1, $0x1  }
0xb: {  	s24 =	sshll.u32 s7, $0x4;
	s25 =	sshrl.u32 s9, $0x3;
	s9 =	sadd.s32 $0x25D0, s11  }
0xc: {  	s30 =	sshrl.u32 s17, $0x3;
	[smem:$0x7FC] =	sst s1;
	s14 =	sadd.s32 s12, s24  }
0xd: {  	s17 =	sadd.s32 $0x190, s4;
	s8 =	sadd.s32 s13, s24;
	[dreg:$0x10] =	wrdreg s14  }
0xe: {  	s1 =	simm.s32 $0x80;
	s15 =	sadd.s32 s25, s20;
	[dreg:$0x11] =	wrdreg s8  }
0xf: {  	s16 =	sshll.u32 s9, $0x4;
	s2 =	sadd.s32 s30, s20;
	[dreg:$0x3] =	wrdreg s15  }
0x10: {  	s19 =	sshrl.u32 s17, $0x3;
	s14 =	sadd.s32 s25, s21;
	[dreg:$0x6] =	wrdreg s2  }
0x11: {  	s24 =	sadd.s32 $0x50, s4;
	s31 =	sadd.s32 s12, s16;
	[dreg:$0x4] =	wrdreg s14  }
0x12: {  	s8 =	sadd.s32 $0x26C0, s11;
	s16 =	sadd.s32 s13, s16;
	[dreg:$0x12] =	wrdreg s31  }
0x13: {  	s15 =	sshrl.u32 s26, $0x3;
	s22 =	sadd.s32 s19, s20;
	[dreg:$0x13] =	wrdreg s16  }
0x14: {  	s23 =	sadd.s32 s19, s21;
	s26 =	sshrl.u32 s24, $0x3;
	[dreg:$0x9] =	wrdreg s22  }
0x15: {  	s29 =	sadd.s32 s15, s5;
	s16 =	sadd.s32 $0xA0, s4;
	[dreg:$0xa] =	wrdreg s23  }
0x16: {  	s15 =	sadd.s32 s30, s21;
	s17 =	sshll.u32 s8, $0x4;
	[dreg:$0x5] =	wrdreg s29  }
0x17: {  	s23 =	sshrl.u32 s4, $0x3;
	[dreg:$0x7] =	wrdreg s15;
	s22 =	sadd.s32 s12, s17  }
0x18: {  	s14 =	sshrl.u32 s16, $0x3;
	s15 =	sadd.s32 s13, s17;
	[dreg:$0x18] =	wrdreg s22  }
0x19: {  	s16 =	sadd.s32 $0x2620, s11;
	s24 =	sadd.s32 s23, s5;
	[dreg:$0x19] =	wrdreg s15  }
0x1a: {  	s14 =	sadd.s32 s14, s5;
	s25 =	sshll.u32 s16, $0x4;
	[dreg:$0xc] =	wrdreg s24  }
0x1b: {  	s19 =	smul.u32 $0x4E200, s18;
	[dreg:$0x8] =	wrdreg s14;
	s29 =	sadd.s32 s12, s25  }
0x1c: {  	s11 =	sadd.s32 $0x2670, s11;
	s30 =	sadd.s32 s13, s25;
	[dreg:$0x14] =	wrdreg s29  }
0x1d: {  	s31 =	sshll.u32 s11, $0x4;
	s14 =	sadd.s32 s26, s5;
	[dreg:$0x15] =	wrdreg s30  }
0x1e: {  	s15 =	sshrl.u32 s7, $0x3;
	s2 =	sadd.s32 s12, s31;
	[dreg:$0xb] =	wrdreg s14  }
0x1f: {  	s22 =	sshrl.u32 s9, $0x3;
	s12 =	sadd.s32 s19, s12;
	[dreg:$0x16] =	wrdreg s2  }
0x20: {  	s23 =	sshrl.u32 s16, $0x3;
	s26 =	sadd.s32 $0x3E000, s6;
	[dreg:$0x1a] =	wrdreg s12  }
0x21: {  	s24 =	sshrl.u32 s11, $0x3;
	s7 =	sadd.s32 s5, s22;
	[dreg:$0xe] =	wrdreg s26  }
0x22: {  	s16 =	simm.s32 $0x100;
	s14 =	sadd.s32 s13, s31;
	[smem:$0x7F6] =	sst s7  }
0x23: {  	s11 =	simm.s32 $0x6;
	s13 =	sadd.s32 s19, s13;
	[dreg:$0x17] =	wrdreg s14  }
0x24: {  	s25 =	sadd.s32 $0xA, s10;
	s2 =	sadd.s32 $0x16E00, s6;
	[dreg:$0x1b] =	wrdreg s13  }
0x25: {  	s22 =	simm.s32 $0x8;
	s29 =	sadd.s32 s21, s25;
	[dreg:$0xd] =	wrdreg s2  }
0x26: {  	s30 =	sadd.s32 s20, s25;
	s31 =	sadd.s32 s21, s10;
	[dreg:$0x1c] =	wrdreg s29  }
0x27: {  	s19 =	sshrl.u32 s8, $0x3;
	s25 =	sadd.s32 s5, s23;
	[dreg:$0x1d] =	wrdreg s30  }
0x28: {  	s26 =	sadd.s32 s5, s24;
	s8 =	smul.u32 $0x27100, s0;
	[dreg:$0x1e] =	wrdreg s31  }
0x29: {  	s7 =	simm.s32 $0x280;
	s23 =	simm.s32 $0x2;
	[smem:$0x7F7] =	sst s25  }
0x2a: {  	s12 =	simm.s32 $0x3;
	s13 =	sadd.s32 s20, s10;
	[smem:$0x7F8] =	sst s26  }
0x2b: {  	s24 =	simm.s32 $0xC;
	s29 =	sadd.s32 s21, s19;
	[dreg:$0x1f] =	wrdreg s13  }
0x2c: {  	s2 =	sadd.s32 $0x14, s10;
	s30 =	sadd.s32 s20, s19;
	[smem:$0x7FA] =	sst s29  }
0x2d: {  	s10 =	sadd.s32 $0x1E, s10;
	s31 =	sadd.s32 $0x140, s4;
	[smem:$0x7FB] =	sst s30  }
0x2e: {  	s25 =	simm.s32 $0x4;
	s4 =	simm.s32 $0x5;
	[smem:$0x7FD] =	sst s31  }
0x2f: {  	s14 =	sadd.s32 s21, s2;
	s6 =	sadd.s32 s20, s2;
	[dreg:$0xf] =	wrdreg s8  }
0x30: {  	s17 =	sadd.s32 s21, s10;
	s18 =	sadd.s32 s20, s10;
	[smem:$0x7F1] =	sst s14  }
0x31: {  	s10 =	smov.u32 s20;
	s13 =	simm.s32 $0x50;
	[smem:$0x7F2] =	sst s6  }
0x32: {  	s20 =	simm.s32 $0xB;
	s2 =	simm.s32 $0x0;
	[smem:$0x7F3] =	sst s17  }
0x33: {  	[smem:$0x7F4] =	sst s18;
	s6 =	sadd.s32 s5, s15;
	s5 =	sadd.s32 s5, s19  }
0x34: {  	s17 =	simm.s32 $0x300;
	s14 =	simm.s32 $0xA;
	[smem:$0x7F5] =	sst s6  }
0x35: {  	s15 =	simm.s32 $0x7;
	[smem:$0x7F9] =	sst s5;
	s5 =	simm.s32 $0x9  }
.LBB2_1:
0x36: {  	[smem:$0x7F0] =	sst s2  }
0x37: {  	s0 =	rddreg [dreg:$0x1e]  }
0x38: {  	[tilespmem:s3], [sflag:$0x1] =	stream.linear.gather [hbm4b:s0+s3], $0x50, $0x38;
	[tilespmem:$0x14600] =	vst v63  }
0x39: {  	s2 =	rddreg [dreg:$0x1f];
	s26 =	simm.s32 $0x200;
	s9 =	simm.s32 $0x1  }
0x3a: {  	[tilespmem:s26], [sflag:$0x1] =	stream.linear.gather [hbm4b:s2+s3], $0x50, $0x38;
	[tilespmem:$0x14600] =	vst v63  }
0x3b: {  	_ =	swait.ge [sflag:s9], $0x50  }
0x3c: {  	[sflag:s9] =	ssyncset.done $0x0  }
0x3d: {  	[sflag:s9] =	ssyncadd.s32 $0xFFFFFFB0  }
0x3e: {  	_ =	swait.ge [sflag:s9], $0x50  }
0x3f: {  	[sflag:s9] =	ssyncset.done $0x0  }
0x40: {  	s29 =	simm.s32 $0x600;
	s18 =	rddreg [dreg:$0xd];
	[sflag:s9] =	ssyncadd.s32 $0xFFFFFFB0  }
0x41: {  	[tilespmem:s29], [sflag:$0x5] =	stream.indirect.gather [hbm4b:s18+s13], $0x80, s3, s13, $0xb8;
	[tilespmem:$0x14600] =	vst v63  }
0x42: {  	s31 =	simm.s32 $0xA600;
	s19 =	rddreg [dreg:$0xe]  }
0x43: {  	[tilespmem:s31], [sflag:$0x5] =	stream.indirect.gather [hbm4b:s19+s13], $0x80, s26, s13, $0xb8;
	[tilespmem:$0x14600] =	vst v63  }
0x44: {  	s6 =	simm.s32 $0x400;
	s2 =	rddreg [dreg:$0x1]  }
0x45: {  	[tilespmem:s6], [sflag:$0x5] =	stream.indirect.gather [hbm4b:s2+s13], $0x1, s3, s13, $0xb8;
	[tilespmem:$0x14600] =	vst v63  }
0x46: {  	s6 =	rddreg [dreg:$0x1c]  }
0x47: {  	[tilespmem:s1], [sflag:$0x2] =	stream.linear.gather [hbm4b:s6+s3], $0x50, $0x38;
	[tilespmem:$0x14600] =	vst v63  }
0x48: {  	s6 =	rddreg [dreg:$0x1d]  }
0x49: {  	[tilespmem:s7], [sflag:$0x2] =	stream.linear.gather [hbm4b:s6+s3], $0x50, $0x38;
	[tilespmem:$0x14600] =	vst v63  }
0x4a: {  	_ =	swait.ge [sflag:s23], $0x50  }
0x4b: {  	[sflag:s23] =	ssyncset.done $0x0  }
0x4c: {  	[sflag:s23] =	ssyncadd.s32 $0xFFFFFFB0  }
0x4d: {  	_ =	swait.ge [sflag:s23], $0x50  }
0x4e: {  	[sflag:s23] =	ssyncset.done $0x0  }
0x4f: {  	s6 =	simm.s32 $0x2E00;
	[sflag:s23] =	ssyncadd.s32 $0xFFFFFFB0  }
0x50: {  	[tilespmem:s6], [sflag:$0x6] =	stream.indirect.gather [hbm4b:s18+s13], $0x80, s1, s13, $0xb8;
	[tilespmem:$0x14600] =	vst v63  }
0x51: {  	s6 =	simm.s32 $0xCE00  }
0x52: {  	[tilespmem:s6], [sflag:$0x6] =	stream.indirect.gather [hbm4b:s19+s13], $0x80, s7, s13, $0xb8;
	[tilespmem:$0x14600] =	vst v63  }
0x53: {  	s7 =	simm.s32 $0x480;
	s6 =	sld [smem:$0x7F1]  }
0x54: {  	[tilespmem:s7], [sflag:$0x6] =	stream.indirect.gather [hbm4b:s2+s13], $0x1, s1, s13, $0xb8;
	[tilespmem:$0x14600] =	vst v63  }
0x55: {  	s7 =	sld [smem:$0x7F2]  }
0x56: {  	[tilespmem:s16], [sflag:$0x3] =	stream.linear.gather [hbm4b:s6+s3], $0x50, $0x38;
	[tilespmem:$0x14600] =	vst v63  }
0x57: {  	_ = 	snop  }
0x58: {  	[tilespmem:s17], [sflag:$0x3] =	stream.linear.gather [hbm4b:s7+s3], $0x50, $0x38;
	[tilespmem:$0x14600] =	vst v63  }
0x59: {  	_ =	swait.ge [sflag:s12], $0x50  }
0x5a: {  	[sflag:s12] =	ssyncset.done $0x0  }
0x5b: {  	[sflag:s12] =	ssyncadd.s32 $0xFFFFFFB0  }
0x5c: {  	_ =	swait.ge [sflag:s12], $0x50  }
0x5d: {  	[sflag:s12] =	ssyncset.done $0x0  }
0x5e: {  	[sflag:s12] =	ssyncadd.s32 $0xFFFFFFB0;
	s12 =	simm.s32 $0x5600  }
0x5f: {  	[tilespmem:s12], [sflag:$0x7] =	stream.indirect.gather [hbm4b:s18+s13], $0x80, s16, s13, $0xb8;
	[tilespmem:$0x14600] =	vst v63  }
0x60: {  	s1 =	simm.s32 $0xF600  }
0x61: {  	[tilespmem:s1], [sflag:$0x7] =	stream.indirect.gather [hbm4b:s19+s13], $0x80, s17, s13, $0xb8;
	[tilespmem:$0x14600] =	vst v63  }
0x62: {  	s6 =	simm.s32 $0x500;
	s7 =	sld [smem:$0x7F3]  }
0x63: {  	[tilespmem:s6], [sflag:$0x7] =	stream.indirect.gather [hbm4b:s2+s13], $0x1, s16, s13, $0xb8;
	[tilespmem:$0x14600] =	vst v63  }
0x64: {  	s12 =	simm.s32 $0x180;
	s16 =	sld [smem:$0x7F4]  }
0x65: {  	[tilespmem:s12], [sflag:$0x4] =	stream.linear.gather [hbm4b:s7+s3], $0x50, $0x38;
	[tilespmem:$0x14600] =	vst v63  }
0x66: {  	_ = 	snop  }
0x67: {  	[tilespmem:s28], [sflag:$0x4] =	stream.linear.gather [hbm4b:s16+s3], $0x50, $0x38;
	[tilespmem:$0x14600] =	vst v63  }
0x68: {  	_ =	swait.ge [sflag:s25], $0x50  }
0x69: {  	[sflag:s25] =	ssyncset.done $0x0  }
0x6a: {  	[sflag:s25] =	ssyncadd.s32 $0xFFFFFFB0  }
0x6b: {  	_ =	swait.ge [sflag:s25], $0x50  }
0x6c: {  	[sflag:s25] =	ssyncset.done $0x0  }
0x6d: {  	s17 =	simm.s32 $0x7E00;
	[sflag:s25] =	ssyncadd.s32 $0xFFFFFFB0;
	s25 =	simm.s32 $0x180  }
0x6e: {  	[tilespmem:s17], [sflag:$0x8] =	stream.indirect.gather [hbm4b:s18+s13], $0x80, s25, s13, $0xb8;
	[tilespmem:$0x14600] =	vst v63  }
0x6f: {  	s6 =	simm.s32 $0x11E00  }
0x70: {  	[tilespmem:s6], [sflag:$0x8] =	stream.indirect.gather [hbm4b:s19+s13], $0x80, s28, s13, $0xb8;
	[tilespmem:$0x14600] =	vst v63  }
0x71: {  	s7 =	simm.s32 $0x580  }
0x72: {  	[tilespmem:s7], [sflag:$0x8] =	stream.indirect.gather [hbm4b:s2+s13], $0x1, s25, s13, $0xb8;
	[tilespmem:$0x14600] =	vst v63  }
0x73: {  	_ =	swait.ge [sflag:s4], $0x2800  }
0x74: {  	[sflag:s4] =	ssyncset.done $0x0  }
0x75: {  	[sflag:s4] =	ssyncadd.s32 $0xFFFFD800  }
0x76: {  	_ =	swait.ge [sflag:s4], $0x2800  }
0x77: {  	[sflag:s4] =	ssyncset.done $0x0  }
0x78: {  	[sflag:s4] =	ssyncadd.s32 $0xFFFFD800  }
0x79: {  	_ =	swait.ge [sflag:s4], $0x50  }
0x7a: {  	s16 =	rddreg [dreg:$0x1a]  }
0x7b: {  	[sflag:s4] =	ssyncset.done $0x0;
	s17 =	rddreg [dreg:$0x1b]  }
0x7c: {  	s28 =	sld [smem:$0x7FD];
	[sflag:s4] =	ssyncadd.s32 $0xFFFFFFB0;
	s0 =	sadd.s32 s16, s8  }
0x7d: {  	[hbm4b:s0+s3] =	stream.linear.scatter [tilespmem:s29], [sflag:$0x9], $0x2800, $0x38;
	[tilespmem:$0x14600] =	vst v63  }
0x7e: {  	s12 =	rddreg [dreg:$0xc];
	s1 =	sadd.s32 s17, s8  }
0x7f: {  	[hbm4b:s1+s3] =	stream.linear.scatter [tilespmem:s31], [sflag:$0x9], $0x2800, $0x38;
	[tilespmem:$0x14600] =	vst v63  }
0x80: {  	s30 =	simm.s32 $0x400;
	s7 =	sadd.s32 $0x0, s12;
	s25 =	sshrl.u32 s28, $0x3  }
0x81: {  	[hbm4b:s7+s3] =	stream.linear.scatter [tilespmem:s30], [sflag:$0x9], $0x50, $0x38;
	[tilespmem:$0x14600] =	vst v63  }
0x82: {  	s7 =	sadd.s32 s21, s25  }
0x83: {  	[tilespmem:s3], [sflag:$0x1] =	stream.linear.gather [hbm4b:s7+s3], $0x50, $0x38;
	[tilespmem:$0x14600] =	vst v63  }
0x84: {  	s25 =	sadd.s32 s10, s25  }
0x85: {  	[tilespmem:s26], [sflag:$0x1] =	stream.linear.gather [hbm4b:s25+s3], $0x50, $0x38;
	[tilespmem:$0x14600] =	vst v63  }
0x86: {  	_ =	swait.ge [sflag:s5], $0x2800  }
0x87: {  	[sflag:s5] =	ssyncset.done $0x0  }
0x88: {  	[sflag:s5] =	ssyncadd.s32 $0xFFFFD800  }
0x89: {  	_ =	swait.ge [sflag:s5], $0x2800  }
0x8a: {  	[sflag:s5] =	ssyncset.done $0x0  }
0x8b: {  	[sflag:s5] =	ssyncadd.s32 $0xFFFFD800  }
0x8c: {  	_ =	swait.ge [sflag:s5], $0x50  }
0x8d: {  	[sflag:s5] =	ssyncset.done $0x0  }
0x8e: {  	[sflag:s5] =	ssyncadd.s32 $0xFFFFFFB0  }
0x8f: {  	_ =	swait.ge [sflag:s9], $0x50  }
0x90: {  	[sflag:s9] =	ssyncset.done $0x0  }
0x91: {  	[sflag:s9] =	ssyncadd.s32 $0xFFFFFFB0  }
0x92: {  	_ =	swait.ge [sflag:s9], $0x50  }
0x93: {  	[sflag:s9] =	ssyncset.done $0x0  }
0x94: {  	[sflag:s9] =	ssyncadd.s32 $0xFFFFFFB0  }
0x95: {  	[tilespmem:s29], [sflag:$0x5] =	stream.indirect.gather [hbm4b:s18+s13], $0x80, s3, s13, $0xb8;
	[tilespmem:$0x14600] =	vst v63  }
0x96: {  	_ = 	snop  }
0x97: {  	[tilespmem:s31], [sflag:$0x5] =	stream.indirect.gather [hbm4b:s19+s13], $0x80, s26, s13, $0xb8;
	[tilespmem:$0x14600] =	vst v63  }
0x98: {  	_ = 	snop  }
0x99: {  	[tilespmem:s30], [sflag:$0x5] =	stream.indirect.gather [hbm4b:s2+s13], $0x1, s3, s13, $0xb8;
	[tilespmem:$0x14600] =	vst v63  }
0x9a: {  	_ =	swait.ge [sflag:s11], $0x2800  }
0x9b: {  	[sflag:s11] =	ssyncset.done $0x0  }
0x9c: {  	[sflag:s11] =	ssyncadd.s32 $0xFFFFD800  }
0x9d: {  	_ =	swait.ge [sflag:s11], $0x2800  }
0x9e: {  	[sflag:s11] =	ssyncset.done $0x0  }
0x9f: {  	[sflag:s11] =	ssyncadd.s32 $0xFFFFD800  }
0xa0: {  	_ =	swait.ge [sflag:s11], $0x50  }
0xa1: {  	[sflag:s11] =	ssyncset.done $0x0  }
0xa2: {  	s9 =	simm.s32 $0x2E00;
	s26 =	sadd.s32 $0x500, s0;
	[sflag:s11] =	ssyncadd.s32 $0xFFFFFFB0  }
0xa3: {  	[hbm4b:s26+s3] =	stream.linear.scatter [tilespmem:s9], [sflag:$0xA], $0x2800, $0x38;
	[tilespmem:$0x14600] =	vst v63  }
0xa4: {  	s7 =	sadd.s32 $0x500, s1;
	s25 =	rddreg [dreg:$0xb];
	s26 =	simm.s32 $0xCE00  }
0xa5: {  	[hbm4b:s7+s3] =	stream.linear.scatter [tilespmem:s26], [sflag:$0xA], $0x2800, $0x38;
	[tilespmem:$0x14600] =	vst v63  }
0xa6: {  	s29 =	simm.s32 $0x480;
	s25 =	sadd.s32 $0x0, s25;
	s7 =	rddreg [dreg:$0xa]  }
0xa7: {  	[hbm4b:s25+s3] =	stream.linear.scatter [tilespmem:s29], [sflag:$0xA], $0x50, $0x38;
	[tilespmem:$0x14600] =	vst v63  }
0xa8: {  	s6 =	simm.s32 $0x80;
	s7 =	sadd.s32 $0x0, s7;
	s25 =	rddreg [dreg:$0x9]  }
0xa9: {  	[tilespmem:s6], [sflag:$0x2] =	stream.linear.gather [hbm4b:s7+s3], $0x50, $0x38;
	[tilespmem:$0x14600] =	vst v63  }
0xaa: {  	s7 =	sadd.s32 $0x0, s25;
	s25 =	simm.s32 $0x280  }
0xab: {  	[tilespmem:s25], [sflag:$0x2] =	stream.linear.gather [hbm4b:s7+s3], $0x50, $0x38;
	[tilespmem:$0x14600] =	vst v63  }
0xac: {  	_ =	swait.ge [sflag:s14], $0x2800  }
0xad: {  	[sflag:s14] =	ssyncset.done $0x0  }
0xae: {  	[sflag:s14] =	ssyncadd.s32 $0xFFFFD800  }
0xaf: {  	_ =	swait.ge [sflag:s14], $0x2800  }
0xb0: {  	[sflag:s14] =	ssyncset.done $0x0  }
0xb1: {  	[sflag:s14] =	ssyncadd.s32 $0xFFFFD800  }
0xb2: {  	_ =	swait.ge [sflag:s14], $0x50  }
0xb3: {  	[sflag:s14] =	ssyncset.done $0x0  }
0xb4: {  	[sflag:s14] =	ssyncadd.s32 $0xFFFFFFB0  }
0xb5: {  	_ =	swait.ge [sflag:s23], $0x50  }
0xb6: {  	[sflag:s23] =	ssyncset.done $0x0  }
0xb7: {  	[sflag:s23] =	ssyncadd.s32 $0xFFFFFFB0  }
0xb8: {  	_ =	swait.ge [sflag:s23], $0x50  }
0xb9: {  	[sflag:s23] =	ssyncset.done $0x0  }
0xba: {  	[sflag:s23] =	ssyncadd.s32 $0xFFFFFFB0  }
0xbb: {  	[tilespmem:s9], [sflag:$0x6] =	stream.indirect.gather [hbm4b:s18+s13], $0x80, s6, s13, $0xb8;
	[tilespmem:$0x14600] =	vst v63  }
0xbc: {  	_ = 	snop  }
0xbd: {  	[tilespmem:s26], [sflag:$0x6] =	stream.indirect.gather [hbm4b:s19+s13], $0x80, s25, s13, $0xb8;
	[tilespmem:$0x14600] =	vst v63  }
0xbe: {  	_ = 	snop  }
0xbf: {  	[tilespmem:s29], [sflag:$0x6] =	stream.indirect.gather [hbm4b:s2+s13], $0x1, s6, s13, $0xb8;
	[tilespmem:$0x14600] =	vst v63  }
0xc0: {  	_ =	swait.ge [sflag:s15], $0x2800  }
0xc1: {  	[sflag:s15] =	ssyncset.done $0x0  }
0xc2: {  	[sflag:s15] =	ssyncadd.s32 $0xFFFFD800  }
0xc3: {  	_ =	swait.ge [sflag:s15], $0x2800  }
0xc4: {  	[sflag:s15] =	ssyncset.done $0x0  }
0xc5: {  	[sflag:s15] =	ssyncadd.s32 $0xFFFFD800  }
0xc6: {  	_ =	swait.ge [sflag:s15], $0x50  }
0xc7: {  	[sflag:s15] =	ssyncset.done $0x0  }
0xc8: {  	s9 =	simm.s32 $0x5600;
	s26 =	sadd.s32 $0xA00, s0;
	[sflag:s15] =	ssyncadd.s32 $0xFFFFFFB0  }
0xc9: {  	[hbm4b:s26+s3] =	stream.linear.scatter [tilespmem:s9], [sflag:$0xB], $0x2800, $0x38;
	[tilespmem:$0x14600] =	vst v63  }
0xca: {  	s23 =	simm.s32 $0xF600;
	s6 =	sadd.s32 $0xA00, s1;
	s25 =	rddreg [dreg:$0x8]  }
0xcb: {  	[hbm4b:s6+s3] =	stream.linear.scatter [tilespmem:s23], [sflag:$0xB], $0x2800, $0x38;
	[tilespmem:$0x14600] =	vst v63  }
0xcc: {  	s25 =	sadd.s32 $0x0, s25;
	s26 =	rddreg [dreg:$0x7];
	s6 =	simm.s32 $0x500  }
0xcd: {  	[hbm4b:s25+s3] =	stream.linear.scatter [tilespmem:s6], [sflag:$0xB], $0x50, $0x38;
	[tilespmem:$0x14600] =	vst v63  }
0xce: {  	s7 =	sadd.s32 $0x0, s26;
	s26 =	simm.s32 $0x100;
	s25 =	rddreg [dreg:$0x6]  }
0xcf: {  	[tilespmem:s26], [sflag:$0x3] =	stream.linear.gather [hbm4b:s7+s3], $0x50, $0x38;
	[tilespmem:$0x14600] =	vst v63  }
0xd0: {  	s25 =	sadd.s32 $0x0, s25;
	s26 =	simm.s32 $0x300  }
0xd1: {  	[tilespmem:s26], [sflag:$0x3] =	stream.linear.gather [hbm4b:s25+s3], $0x50, $0x38;
	[tilespmem:$0x14600] =	vst v63  }
0xd2: {  	_ =	swait.ge [sflag:s20], $0x2800  }
0xd3: {  	[sflag:s20] =	ssyncset.done $0x0  }
0xd4: {  	[sflag:s20] =	ssyncadd.s32 $0xFFFFD800  }
0xd5: {  	_ =	swait.ge [sflag:s20], $0x2800  }
0xd6: {  	[sflag:s20] =	ssyncset.done $0x0  }
0xd7: {  	[sflag:s20] =	ssyncadd.s32 $0xFFFFD800  }
0xd8: {  	_ =	swait.ge [sflag:s20], $0x50  }
0xd9: {  	[sflag:s20] =	ssyncset.done $0x0  }
0xda: {  	s8 =	simm.s32 $0x3;
	[sflag:s20] =	ssyncadd.s32 $0xFFFFFFB0  }
0xdb: {  	_ =	swait.ge [sflag:s8], $0x50  }
0xdc: {  	[sflag:s8] =	ssyncset.done $0x0  }
0xdd: {  	[sflag:s8] =	ssyncadd.s32 $0xFFFFFFB0  }
0xde: {  	_ =	swait.ge [sflag:s8], $0x50  }
0xdf: {  	[sflag:s8] =	ssyncset.done $0x0  }
0xe0: {  	[sflag:s8] =	ssyncadd.s32 $0xFFFFFFB0;
	s8 =	simm.s32 $0x100  }
0xe1: {  	[tilespmem:s9], [sflag:$0x7] =	stream.indirect.gather [hbm4b:s18+s13], $0x80, s8, s13, $0xb8;
	[tilespmem:$0x14600] =	vst v63  }
0xe2: {  	_ = 	snop  }
0xe3: {  	[tilespmem:s23], [sflag:$0x7] =	stream.indirect.gather [hbm4b:s19+s13], $0x80, s26, s13, $0xb8;
	[tilespmem:$0x14600] =	vst v63  }
0xe4: {  	_ = 	snop  }
0xe5: {  	[tilespmem:s6], [sflag:$0x7] =	stream.indirect.gather [hbm4b:s2+s13], $0x1, s8, s13, $0xb8;
	[tilespmem:$0x14600] =	vst v63  }
0xe6: {  	_ =	swait.ge [sflag:s22], $0x2800  }
0xe7: {  	[sflag:s22] =	ssyncset.done $0x0  }
0xe8: {  	[sflag:s22] =	ssyncadd.s32 $0xFFFFD800  }
0xe9: {  	_ =	swait.ge [sflag:s22], $0x2800  }
0xea: {  	[sflag:s22] =	ssyncset.done $0x0  }
0xeb: {  	[sflag:s22] =	ssyncadd.s32 $0xFFFFD800  }
0xec: {  	_ =	swait.ge [sflag:s22], $0x50  }
0xed: {  	[sflag:s22] =	ssyncset.done $0x0  }
0xee: {  	s0 =	sadd.s32 $0xF00, s0;
	s6 =	simm.s32 $0x7E00;
	[sflag:s22] =	ssyncadd.s32 $0xFFFFFFB0  }
0xef: {  	[hbm4b:s0+s3] =	stream.linear.scatter [tilespmem:s6], [sflag:$0xC], $0x2800, $0x38;
	[tilespmem:$0x14600] =	vst v63  }
0xf0: {  	s8 =	sadd.s32 $0xF00, s1;
	s2 =	simm.s32 $0x11E00;
	s26 =	rddreg [dreg:$0x5]  }
0xf1: {  	[hbm4b:s8+s3] =	stream.linear.scatter [tilespmem:s2], [sflag:$0xC], $0x2800, $0x38;
	[tilespmem:$0x14600] =	vst v63  }
0xf2: {  	s9 =	rddreg [dreg:$0x4];
	s23 =	sadd.s32 $0x0, s26;
	s26 =	simm.s32 $0x580  }
0xf3: {  	[hbm4b:s23+s3] =	stream.linear.scatter [tilespmem:s26], [sflag:$0xC], $0x50, $0x38;
	[tilespmem:$0x14600] =	vst v63  }
0xf4: {  	s25 =	rddreg [dreg:$0x3];
	s9 =	sadd.s32 $0x0, s9;
	s23 =	simm.s32 $0x180  }
0xf5: {  	[tilespmem:s23], [sflag:$0x4] =	stream.linear.gather [hbm4b:s9+s3], $0x50, $0x38;
	[tilespmem:$0x14600] =	vst v63  }
0xf6: {  	s25 =	sadd.s32 $0x0, s25;
	s26 =	simm.s32 $0x380  }
0xf7: {  	[tilespmem:s26], [sflag:$0x4] =	stream.linear.gather [hbm4b:s25+s3], $0x50, $0x38;
	[tilespmem:$0x14600] =	vst v63  }
0xf8: {  	_ =	swait.ge [sflag:s24], $0x2800  }
0xf9: {  	[sflag:s24] =	ssyncset.done $0x0  }
0xfa: {  	[sflag:s24] =	ssyncadd.s32 $0xFFFFD800  }
0xfb: {  	_ =	swait.ge [sflag:s24], $0x2800  }
0xfc: {  	[sflag:s24] =	ssyncset.done $0x0  }
0xfd: {  	[sflag:s24] =	ssyncadd.s32 $0xFFFFD800  }
0xfe: {  	_ =	swait.ge [sflag:s24], $0x50  }
0xff: {  	[sflag:s24] =	ssyncset.done $0x0  }
0x100: {  	s12 =	simm.s32 $0x4;
	[sflag:s24] =	ssyncadd.s32 $0xFFFFFFB0  }
0x101: {  	_ =	swait.ge [sflag:s12], $0x50  }
0x102: {  	[sflag:s12] =	ssyncset.done $0x0  }
0x103: {  	[sflag:s12] =	ssyncadd.s32 $0xFFFFFFB0  }
0x104: {  	_ =	swait.ge [sflag:s12], $0x50  }
0x105: {  	[sflag:s12] =	ssyncset.done $0x0  }
0x106: {  	[sflag:s12] =	ssyncadd.s32 $0xFFFFFFB0  }
0x107: {  	[tilespmem:s6], [sflag:$0x8] =	stream.indirect.gather [hbm4b:s18+s13], $0x80, s23, s13, $0xb8;
	[tilespmem:$0x14600] =	vst v63  }
0x108: {  	s31 =	sadd.s32 $0x140, s28;
	s30 =	simm.s32 $0x2  }
0x109: {  	[tilespmem:s2], [sflag:$0x8] =	stream.indirect.gather [hbm4b:s19+s13], $0x80, s26, s13, $0xb8;
	[tilespmem:$0x14600] =	vst v63  }
0x10a: {  	s29 =	sadd.s32 $0x1400, s17;
	s25 =	simm.s32 $0x28;
	s26 =	sadd.s32 $0x1400, s16  }
.LBB2_2:
0x10b: {  	s9 =	rddreg [dreg:$0x1];
	s0 =	simm.s32 $0x180;
	s1 =	simm.s32 $0x580  }
0x10c: {  	[tilespmem:s1], [sflag:$0x8] =	stream.indirect.gather [hbm4b:s9+s13], $0x1, s0, s13, $0xb8;
	[tilespmem:$0x14600] =	vst v63  }
0x10d: {  	_ =	swait.ge [sflag:s4], $0x2800  }
0x10e: {  	[sflag:s4] =	ssyncset.done $0x0  }
0x10f: {  	[sflag:s4] =	ssyncadd.s32 $0xFFFFD800  }
0x110: {  	_ =	swait.ge [sflag:s4], $0x2800  }
0x111: {  	[sflag:s4] =	ssyncset.done $0x0  }
0x112: {  	[sflag:s4] =	ssyncadd.s32 $0xFFFFD800  }
0x113: {  	_ =	swait.ge [sflag:s4], $0x50  }
0x114: {  	s28 =	simm.s32 $0x600;
	[sflag:s4] =	ssyncset.done $0x0;
	s2 =	rddreg [dreg:$0xf]  }
0x115: {  	s6 =	simm.s32 $0xA600;
	[sflag:s4] =	ssyncadd.s32 $0xFFFFFFB0;
	s1 =	sadd.s32 s26, s2  }
0x116: {  	[hbm4b:s1+s3] =	stream.linear.scatter [tilespmem:s28], [sflag:$0x9], $0x2800, $0x38;
	[tilespmem:$0x14600] =	vst v63  }
0x117: {  	s0 =	smov.u32 s25;
	s16 =	rddreg [dreg:$0xc];
	s7 =	sadd.s32 s29, s2  }
0x118: {  	[hbm4b:s7+s3] =	stream.linear.scatter [tilespmem:s6], [sflag:$0x9], $0x2800, $0x38;
	[tilespmem:$0x14600] =	vst v63  }
0x119: {  	s17 =	sshrl.u32 s31, $0x3;
	s8 =	simm.s32 $0x400;
	s16 =	sadd.s32 s0, s16  }
0x11a: {  	[hbm4b:s16+s3] =	stream.linear.scatter [tilespmem:s8], [sflag:$0x9], $0x50, $0x38;
	[tilespmem:$0x14600] =	vst v63  }
0x11b: {  	s12 =	sadd.s32 s21, s17  }
0x11c: {  	[tilespmem:s3], [sflag:$0x1] =	stream.linear.gather [hbm4b:s12+s3], $0x50, $0x38;
	[tilespmem:$0x14600] =	vst v63  }
0x11d: {  	s18 =	simm.s32 $0x200;
	s17 =	sadd.s32 s10, s17  }
0x11e: {  	[tilespmem:s18], [sflag:$0x1] =	stream.linear.gather [hbm4b:s17+s3], $0x50, $0x38;
	[tilespmem:$0x14600] =	vst v63  }
0x11f: {  	_ =	swait.ge [sflag:s5], $0x2800  }
0x120: {  	[sflag:s5] =	ssyncset.done $0x0  }
0x121: {  	[sflag:s5] =	ssyncadd.s32 $0xFFFFD800  }
0x122: {  	_ =	swait.ge [sflag:s5], $0x2800  }
0x123: {  	[sflag:s5] =	ssyncset.done $0x0  }
0x124: {  	[sflag:s5] =	ssyncadd.s32 $0xFFFFD800  }
0x125: {  	_ =	swait.ge [sflag:s5], $0x50  }
0x126: {  	[sflag:s5] =	ssyncset.done $0x0  }
0x127: {  	s23 =	simm.s32 $0x1;
	[sflag:s5] =	ssyncadd.s32 $0xFFFFFFB0  }
0x128: {  	_ =	swait.ge [sflag:s23], $0x50  }
0x129: {  	[sflag:s23] =	ssyncset.done $0x0  }
0x12a: {  	[sflag:s23] =	ssyncadd.s32 $0xFFFFFFB0  }
0x12b: {  	_ =	swait.ge [sflag:s23], $0x50  }
0x12c: {  	[sflag:s23] =	ssyncset.done $0x0  }
0x12d: {  	s19 =	rddreg [dreg:$0xd];
	[sflag:s23] =	ssyncadd.s32 $0xFFFFFFB0  }
0x12e: {  	[tilespmem:s28], [sflag:$0x5] =	stream.indirect.gather [hbm4b:s19+s13], $0x80, s3, s13, $0xb8;
	[tilespmem:$0x14600] =	vst v63  }
0x12f: {  	s12 =	rddreg [dreg:$0xe]  }
0x130: {  	[tilespmem:s6], [sflag:$0x5] =	stream.indirect.gather [hbm4b:s12+s13], $0x80, s18, s13, $0xb8;
	[tilespmem:$0x14600] =	vst v63  }
0x131: {  	_ = 	snop  }
0x132: {  	[tilespmem:s8], [sflag:$0x5] =	stream.indirect.gather [hbm4b:s9+s13], $0x1, s3, s13, $0xb8;
	[tilespmem:$0x14600] =	vst v63  }
0x133: {  	_ =	swait.ge [sflag:s11], $0x2800  }
0x134: {  	[sflag:s11] =	ssyncset.done $0x0  }
0x135: {  	[sflag:s11] =	ssyncadd.s32 $0xFFFFD800  }
0x136: {  	_ =	swait.ge [sflag:s11], $0x2800  }
0x137: {  	[sflag:s11] =	ssyncset.done $0x0  }
0x138: {  	[sflag:s11] =	ssyncadd.s32 $0xFFFFD800  }
0x139: {  	_ =	swait.ge [sflag:s11], $0x50  }
0x13a: {  	s2 =	simm.s32 $0x2E00;
	s23 =	simm.s32 $0xCE00;
	[sflag:s11] =	ssyncset.done $0x0  }
0x13b: {  	s28 =	sadd.s32 $0x500, s1;
	s6 =	rddreg [dreg:$0xb];
	[sflag:s11] =	ssyncadd.s32 $0xFFFFFFB0  }
0x13c: {  	[hbm4b:s28+s3] =	stream.linear.scatter [tilespmem:s2], [sflag:$0xA], $0x2800, $0x38;
	[tilespmem:$0x14600] =	vst v63  }
0x13d: {  	s8 =	sadd.s32 $0x500, s7;
	s18 =	sadd.s32 s0, s6;
	s28 =	smov.u32 s21  }
0x13e: {  	[hbm4b:s8+s3] =	stream.linear.scatter [tilespmem:s23], [sflag:$0xA], $0x2800, $0x38;
	[tilespmem:$0x14600] =	vst v63  }
0x13f: {  	s21 =	smov.u32 s10;
	s10 =	rddreg [dreg:$0xa];
	s8 =	simm.s32 $0x480  }
0x140: {  	[hbm4b:s18+s3] =	stream.linear.scatter [tilespmem:s8], [sflag:$0xA], $0x50, $0x38;
	[tilespmem:$0x14600] =	vst v63  }
0x141: {  	s16 =	simm.s32 $0x80;
	s6 =	rddreg [dreg:$0x9];
	s10 =	sadd.s32 s0, s10  }
0x142: {  	[tilespmem:s16], [sflag:$0x2] =	stream.linear.gather [hbm4b:s10+s3], $0x50, $0x38;
	[tilespmem:$0x14600] =	vst v63  }
0x143: {  	s17 =	sadd.s32 s0, s6;
	s18 =	simm.s32 $0x280  }
0x144: {  	[tilespmem:s18], [sflag:$0x2] =	stream.linear.gather [hbm4b:s17+s3], $0x50, $0x38;
	[tilespmem:$0x14600] =	vst v63  }
0x145: {  	_ =	swait.ge [sflag:s14], $0x2800  }
0x146: {  	[sflag:s14] =	ssyncset.done $0x0  }
0x147: {  	[sflag:s14] =	ssyncadd.s32 $0xFFFFD800  }
0x148: {  	_ =	swait.ge [sflag:s14], $0x2800  }
0x149: {  	[sflag:s14] =	ssyncset.done $0x0  }
0x14a: {  	[sflag:s14] =	ssyncadd.s32 $0xFFFFD800  }
0x14b: {  	_ =	swait.ge [sflag:s14], $0x50  }
0x14c: {  	[sflag:s14] =	ssyncset.done $0x0  }
0x14d: {  	[sflag:s14] =	ssyncadd.s32 $0xFFFFFFB0  }
0x14e: {  	_ =	swait.ge [sflag:s30], $0x50  }
0x14f: {  	[sflag:s30] =	ssyncset.done $0x0  }
0x150: {  	[sflag:s30] =	ssyncadd.s32 $0xFFFFFFB0  }
0x151: {  	_ =	swait.ge [sflag:s30], $0x50  }
0x152: {  	[sflag:s30] =	ssyncset.done $0x0  }
0x153: {  	[sflag:s30] =	ssyncadd.s32 $0xFFFFFFB0  }
0x154: {  	[tilespmem:s2], [sflag:$0x6] =	stream.indirect.gather [hbm4b:s19+s13], $0x80, s16, s13, $0xb8;
	[tilespmem:$0x14600] =	vst v63  }
0x155: {  	_ = 	snop  }
0x156: {  	[tilespmem:s23], [sflag:$0x6] =	stream.indirect.gather [hbm4b:s12+s13], $0x80, s18, s13, $0xb8;
	[tilespmem:$0x14600] =	vst v63  }
0x157: {  	_ = 	snop  }
0x158: {  	[tilespmem:s8], [sflag:$0x6] =	stream.indirect.gather [hbm4b:s9+s13], $0x1, s16, s13, $0xb8;
	[tilespmem:$0x14600] =	vst v63  }
0x159: {  	_ =	swait.ge [sflag:s15], $0x2800  }
0x15a: {  	[sflag:s15] =	ssyncset.done $0x0  }
0x15b: {  	[sflag:s15] =	ssyncadd.s32 $0xFFFFD800  }
0x15c: {  	_ =	swait.ge [sflag:s15], $0x2800  }
0x15d: {  	[sflag:s15] =	ssyncset.done $0x0  }
0x15e: {  	[sflag:s15] =	ssyncadd.s32 $0xFFFFD800  }
0x15f: {  	_ =	swait.ge [sflag:s15], $0x50  }
0x160: {  	[sflag:s15] =	ssyncset.done $0x0  }
0x161: {  	s6 =	sadd.s32 $0xA00, s1;
	s18 =	simm.s32 $0x5600;
	[sflag:s15] =	ssyncadd.s32 $0xFFFFFFB0  }
0x162: {  	[hbm4b:s6+s3] =	stream.linear.scatter [tilespmem:s18], [sflag:$0xB], $0x2800, $0x38;
	[tilespmem:$0x14600] =	vst v63  }
0x163: {  	s2 =	sadd.s32 $0xA00, s7;
	s8 =	rddreg [dreg:$0x8];
	s6 =	simm.s32 $0xF600  }
0x164: {  	[hbm4b:s2+s3] =	stream.linear.scatter [tilespmem:s6], [sflag:$0xB], $0x2800, $0x38;
	[tilespmem:$0x14600] =	vst v63  }
0x165: {  	s17 =	rddreg [dreg:$0x7];
	s8 =	sadd.s32 s0, s8;
	s2 =	simm.s32 $0x500  }
0x166: {  	[hbm4b:s8+s3] =	stream.linear.scatter [tilespmem:s2], [sflag:$0xB], $0x50, $0x38;
	[tilespmem:$0x14600] =	vst v63  }
0x167: {  	s16 =	rddreg [dreg:$0x6];
	s8 =	sadd.s32 s0, s17;
	s17 =	simm.s32 $0x100  }
0x168: {  	[tilespmem:s17], [sflag:$0x3] =	stream.linear.gather [hbm4b:s8+s3], $0x50, $0x38;
	[tilespmem:$0x14600] =	vst v63  }
0x169: {  	s8 =	sadd.s32 s0, s16;
	s16 =	simm.s32 $0x300  }
0x16a: {  	[tilespmem:s16], [sflag:$0x3] =	stream.linear.gather [hbm4b:s8+s3], $0x50, $0x38;
	[tilespmem:$0x14600] =	vst v63  }
0x16b: {  	_ =	swait.ge [sflag:s20], $0x2800  }
0x16c: {  	[sflag:s20] =	ssyncset.done $0x0  }
0x16d: {  	[sflag:s20] =	ssyncadd.s32 $0xFFFFD800  }
0x16e: {  	_ =	swait.ge [sflag:s20], $0x2800  }
0x16f: {  	[sflag:s20] =	ssyncset.done $0x0  }
0x170: {  	[sflag:s20] =	ssyncadd.s32 $0xFFFFD800  }
0x171: {  	_ =	swait.ge [sflag:s20], $0x50  }
0x172: {  	[sflag:s20] =	ssyncset.done $0x0  }
0x173: {  	s10 =	simm.s32 $0x3;
	[sflag:s20] =	ssyncadd.s32 $0xFFFFFFB0  }
0x174: {  	_ =	swait.ge [sflag:s10], $0x50  }
0x175: {  	[sflag:s10] =	ssyncset.done $0x0  }
0x176: {  	[sflag:s10] =	ssyncadd.s32 $0xFFFFFFB0  }
0x177: {  	_ =	swait.ge [sflag:s10], $0x50  }
0x178: {  	[sflag:s10] =	ssyncset.done $0x0  }
0x179: {  	[sflag:s10] =	ssyncadd.s32 $0xFFFFFFB0  }
0x17a: {  	[tilespmem:s18], [sflag:$0x7] =	stream.indirect.gather [hbm4b:s19+s13], $0x80, s17, s13, $0xb8;
	[tilespmem:$0x14600] =	vst v63  }
0x17b: {  	_ = 	snop  }
0x17c: {  	[tilespmem:s6], [sflag:$0x7] =	stream.indirect.gather [hbm4b:s12+s13], $0x80, s16, s13, $0xb8;
	[tilespmem:$0x14600] =	vst v63  }
0x17d: {  	_ = 	snop  }
0x17e: {  	[tilespmem:s2], [sflag:$0x7] =	stream.indirect.gather [hbm4b:s9+s13], $0x1, s17, s13, $0xb8;
	[tilespmem:$0x14600] =	vst v63  }
0x17f: {  	_ =	swait.ge [sflag:s22], $0x2800  }
0x180: {  	[sflag:s22] =	ssyncset.done $0x0  }
0x181: {  	[sflag:s22] =	ssyncadd.s32 $0xFFFFD800  }
0x182: {  	_ =	swait.ge [sflag:s22], $0x2800  }
0x183: {  	[sflag:s22] =	ssyncset.done $0x0  }
0x184: {  	[sflag:s22] =	ssyncadd.s32 $0xFFFFD800  }
0x185: {  	_ =	swait.ge [sflag:s22], $0x50  }
0x186: {  	[sflag:s22] =	ssyncset.done $0x0  }
0x187: {  	s1 =	sadd.s32 $0xF00, s1;
	s9 =	simm.s32 $0x7E00;
	[sflag:s22] =	ssyncadd.s32 $0xFFFFFFB0  }
0x188: {  	[hbm4b:s1+s3] =	stream.linear.scatter [tilespmem:s9], [sflag:$0xC], $0x2800, $0x38;
	[tilespmem:$0x14600] =	vst v63  }
0x189: {  	s16 =	simm.s32 $0x11E00;
	s17 =	sadd.s32 $0xF00, s7;
	s2 =	rddreg [dreg:$0x5]  }
0x18a: {  	[hbm4b:s17+s3] =	stream.linear.scatter [tilespmem:s16], [sflag:$0xC], $0x2800, $0x38;
	[tilespmem:$0x14600] =	vst v63  }
0x18b: {  	s7 =	rddreg [dreg:$0x4];
	s2 =	sadd.s32 s0, s2;
	s17 =	simm.s32 $0x580  }
0x18c: {  	[hbm4b:s2+s3] =	stream.linear.scatter [tilespmem:s17], [sflag:$0xC], $0x50, $0x38;
	[tilespmem:$0x14600] =	vst v63  }
0x18d: {  	s10 =	rddreg [dreg:$0x3];
	s7 =	sadd.s32 s0, s7;
	s17 =	simm.s32 $0x180  }
0x18e: {  	[tilespmem:s17], [sflag:$0x4] =	stream.linear.gather [hbm4b:s7+s3], $0x50, $0x38;
	[tilespmem:$0x14600] =	vst v63  }
0x18f: {  	s0 =	sadd.s32 s0, s10;
	s7 =	simm.s32 $0x380  }
0x190: {  	[tilespmem:s7], [sflag:$0x4] =	stream.linear.gather [hbm4b:s0+s3], $0x50, $0x38;
	[tilespmem:$0x14600] =	vst v63  }
0x191: {  	_ =	swait.ge [sflag:s24], $0x2800  }
0x192: {  	[sflag:s24] =	ssyncset.done $0x0  }
0x193: {  	[sflag:s24] =	ssyncadd.s32 $0xFFFFD800  }
0x194: {  	_ =	swait.ge [sflag:s24], $0x2800  }
0x195: {  	[sflag:s24] =	ssyncset.done $0x0  }
0x196: {  	[sflag:s24] =	ssyncadd.s32 $0xFFFFD800  }
0x197: {  	_ =	swait.ge [sflag:s24], $0x50  }
0x198: {  	s10 =	smov.u32 s21;
	[sflag:s24] =	ssyncset.done $0x0  }
0x199: {  	s21 =	smov.u32 s28;
	s28 =	simm.s32 $0x4;
	[sflag:s24] =	ssyncadd.s32 $0xFFFFFFB0  }
0x19a: {  	_ =	swait.ge [sflag:s28], $0x50  }
0x19b: {  	p0 =	sne.s32 s25, $0x488;
	s31 =	sadd.s32 $0x140, s31;
	[sflag:s28] =	ssyncset.done $0x0  }
0x19c: {  	s25 =	sadd.s32 $0x28, s25;
	s26 =	sadd.s32 $0x1400, s26;
	[sflag:s28] =	ssyncadd.s32 $0xFFFFFFB0  }
0x19d: {  	s29 =	sadd.s32 $0x1400, s29;
	s23 =	simm.s32 $0x480;
	_ =	swait.ge [sflag:s28], $0x50  }
.Ltmp0:
0x19e: {  	s8 =	simm.s32 $0x5600;
	[sflag:s28] =	ssyncset.done $0x0;
	(pc) =	sbr.rel @p0 .LBB2_2-.Ltmp0, $4  }
0x19f: {  	s18 =	simm.s32 $0xF600;
	s6 =	simm.s32 $0x500;
	[sflag:s28] =	ssyncadd.s32 $0xFFFFFFB0  }
0x1a0: {  	[tilespmem:s9], [sflag:$0x8] =	stream.indirect.gather [hbm4b:s19+s13], $0x80, s17, s13, $0xb8;
	[tilespmem:$0x14600] =	vst v63  }
0x1a1: {  	s1 =	simm.s32 $0x180;
	s2 =	simm.s32 $0x7E00;
	s19 =	simm.s32 $0x11E00  }
0x1a2: {  	[tilespmem:s16], [sflag:$0x8] =	stream.indirect.gather [hbm4b:s12+s13], $0x80, s7, s13, $0xb8;
	[tilespmem:$0x14600] =	vst v63  }
0x1a3: {  	s17 =	rddreg [dreg:$0x1];
	s12 =	simm.s32 $0x580  }
0x1a4: {  	[tilespmem:s12], [sflag:$0x8] =	stream.indirect.gather [hbm4b:s17+s13], $0x1, s1, s13, $0xb8;
	[tilespmem:$0x14600] =	vst v63  }
0x1a5: {  	_ =	swait.ge [sflag:s4], $0x2800  }
0x1a6: {  	[sflag:s4] =	ssyncset.done $0x0  }
0x1a7: {  	[sflag:s4] =	ssyncadd.s32 $0xFFFFD800  }
0x1a8: {  	_ =	swait.ge [sflag:s4], $0x2800  }
0x1a9: {  	[sflag:s4] =	ssyncset.done $0x0  }
0x1aa: {  	[sflag:s4] =	ssyncadd.s32 $0xFFFFD800  }
0x1ab: {  	_ =	swait.ge [sflag:s4], $0x50  }
0x1ac: {  	[sflag:s4] =	ssyncset.done $0x0;
	s0 =	rddreg [dreg:$0x10]  }
0x1ad: {  	s7 =	simm.s32 $0x600;
	s30 =	rddreg [dreg:$0x11];
	[sflag:s4] =	ssyncadd.s32 $0xFFFFFFB0  }
0x1ae: {  	[hbm4b:s0+s3] =	stream.linear.scatter [tilespmem:s7], [sflag:$0x9], $0x2800, $0x38;
	[tilespmem:$0x14600] =	vst v63  }
0x1af: {  	s16 =	simm.s32 $0xA600;
	s31 =	sld [smem:$0x7F5]  }
0x1b0: {  	[hbm4b:s30+s3] =	stream.linear.scatter [tilespmem:s16], [sflag:$0x9], $0x2800, $0x38;
	[tilespmem:$0x14600] =	vst v63  }
0x1b1: {  	s9 =	simm.s32 $0x400;
	s1 =	sld [smem:$0x7FA]  }
0x1b2: {  	[hbm4b:s31+s3] =	stream.linear.scatter [tilespmem:s9], [sflag:$0x9], $0x50, $0x38;
	[tilespmem:$0x14600] =	vst v63  }
0x1b3: {  	s25 =	sld [smem:$0x7FB]  }
0x1b4: {  	[tilespmem:s3], [sflag:$0x1] =	stream.linear.gather [hbm4b:s1+s3], $0x50, $0x38;
	[tilespmem:$0x14600] =	vst v63  }
0x1b5: {  	s26 =	simm.s32 $0x200  }
0x1b6: {  	[tilespmem:s26], [sflag:$0x1] =	stream.linear.gather [hbm4b:s25+s3], $0x50, $0x38;
	[tilespmem:$0x14600] =	vst v63  }
0x1b7: {  	_ =	swait.ge [sflag:s5], $0x2800  }
0x1b8: {  	[sflag:s5] =	ssyncset.done $0x0  }
0x1b9: {  	[sflag:s5] =	ssyncadd.s32 $0xFFFFD800  }
0x1ba: {  	_ =	swait.ge [sflag:s5], $0x2800  }
0x1bb: {  	[sflag:s5] =	ssyncset.done $0x0  }
0x1bc: {  	[sflag:s5] =	ssyncadd.s32 $0xFFFFD800  }
0x1bd: {  	_ =	swait.ge [sflag:s5], $0x50  }
0x1be: {  	[sflag:s5] =	ssyncset.done $0x0  }
0x1bf: {  	s29 =	simm.s32 $0x1;
	[sflag:s5] =	ssyncadd.s32 $0xFFFFFFB0  }
0x1c0: {  	_ =	swait.ge [sflag:s29], $0x50  }
0x1c1: {  	[sflag:s29] =	ssyncset.done $0x0  }
0x1c2: {  	[sflag:s29] =	ssyncadd.s32 $0xFFFFFFB0  }
0x1c3: {  	_ =	swait.ge [sflag:s29], $0x50  }
0x1c4: {  	[sflag:s29] =	ssyncset.done $0x0  }
0x1c5: {  	s30 =	rddreg [dreg:$0xd];
	[sflag:s29] =	ssyncadd.s32 $0xFFFFFFB0  }
0x1c6: {  	[tilespmem:s7], [sflag:$0x5] =	stream.indirect.gather [hbm4b:s30+s13], $0x80, s3, s13, $0xb8;
	[tilespmem:$0x14600] =	vst v63  }
0x1c7: {  	s31 =	rddreg [dreg:$0xe]  }
0x1c8: {  	[tilespmem:s16], [sflag:$0x5] =	stream.indirect.gather [hbm4b:s31+s13], $0x80, s26, s13, $0xb8;
	[tilespmem:$0x14600] =	vst v63  }
0x1c9: {  	_ = 	snop  }
0x1ca: {  	[tilespmem:s9], [sflag:$0x5] =	stream.indirect.gather [hbm4b:s17+s13], $0x1, s3, s13, $0xb8;
	[tilespmem:$0x14600] =	vst v63  }
0x1cb: {  	_ =	swait.ge [sflag:s11], $0x2800  }
0x1cc: {  	[sflag:s11] =	ssyncset.done $0x0  }
0x1cd: {  	[sflag:s11] =	ssyncadd.s32 $0xFFFFD800  }
0x1ce: {  	_ =	swait.ge [sflag:s11], $0x2800  }
0x1cf: {  	[sflag:s11] =	ssyncset.done $0x0  }
0x1d0: {  	[sflag:s11] =	ssyncadd.s32 $0xFFFFD800  }
0x1d1: {  	_ =	swait.ge [sflag:s11], $0x50  }
0x1d2: {  	[sflag:s11] =	ssyncset.done $0x0;
	s17 =	rddreg [dreg:$0x12]  }
0x1d3: {  	s25 =	simm.s32 $0x2E00;
	s26 =	rddreg [dreg:$0x13];
	[sflag:s11] =	ssyncadd.s32 $0xFFFFFFB0  }
0x1d4: {  	[hbm4b:s17+s3] =	stream.linear.scatter [tilespmem:s25], [sflag:$0xA], $0x2800, $0x38;
	[tilespmem:$0x14600] =	vst v63  }
0x1d5: {  	s29 =	simm.s32 $0xCE00;
	s30 =	sld [smem:$0x7F6]  }
0x1d6: {  	[hbm4b:s26+s3] =	stream.linear.scatter [tilespmem:s29], [sflag:$0xA], $0x2800, $0x38;
	[tilespmem:$0x14600] =	vst v63  }
0x1d7: {  	_ = 	snop  }
0x1d8: {  	[hbm4b:s30+s3] =	stream.linear.scatter [tilespmem:s23], [sflag:$0xA], $0x50, $0x38;
	[tilespmem:$0x14600] =	vst v63  }
0x1d9: {  	_ =	swait.ge [sflag:s15], $0x2800  }
0x1da: {  	[sflag:s15] =	ssyncset.done $0x0  }
0x1db: {  	[sflag:s15] =	ssyncadd.s32 $0xFFFFD800  }
0x1dc: {  	_ =	swait.ge [sflag:s15], $0x2800  }
0x1dd: {  	[sflag:s15] =	ssyncset.done $0x0  }
0x1de: {  	[sflag:s15] =	ssyncadd.s32 $0xFFFFD800  }
0x1df: {  	_ =	swait.ge [sflag:s15], $0x50  }
0x1e0: {  	[sflag:s15] =	ssyncset.done $0x0;
	s31 =	rddreg [dreg:$0x14]  }
0x1e1: {  	s1 =	rddreg [dreg:$0x15];
	[sflag:s15] =	ssyncadd.s32 $0xFFFFFFB0  }
0x1e2: {  	[hbm4b:s31+s3] =	stream.linear.scatter [tilespmem:s8], [sflag:$0xB], $0x2800, $0x38;
	[tilespmem:$0x14600] =	vst v63  }
0x1e3: {  	s8 =	sld [smem:$0x7F7]  }
0x1e4: {  	[hbm4b:s1+s3] =	stream.linear.scatter [tilespmem:s18], [sflag:$0xB], $0x2800, $0x38;
	[tilespmem:$0x14600] =	vst v63  }
0x1e5: {  	_ = 	snop  }
0x1e6: {  	[hbm4b:s8+s3] =	stream.linear.scatter [tilespmem:s6], [sflag:$0xB], $0x50, $0x38;
	[tilespmem:$0x14600] =	vst v63  }
0x1e7: {  	_ =	swait.ge [sflag:s22], $0x2800  }
0x1e8: {  	[sflag:s22] =	ssyncset.done $0x0  }
0x1e9: {  	[sflag:s22] =	ssyncadd.s32 $0xFFFFD800  }
0x1ea: {  	_ =	swait.ge [sflag:s22], $0x2800  }
0x1eb: {  	[sflag:s22] =	ssyncset.done $0x0  }
0x1ec: {  	[sflag:s22] =	ssyncadd.s32 $0xFFFFD800  }
0x1ed: {  	_ =	swait.ge [sflag:s22], $0x50  }
0x1ee: {  	[sflag:s22] =	ssyncset.done $0x0;
	s17 =	rddreg [dreg:$0x16]  }
0x1ef: {  	s18 =	rddreg [dreg:$0x17];
	[sflag:s22] =	ssyncadd.s32 $0xFFFFFFB0  }
0x1f0: {  	[hbm4b:s17+s3] =	stream.linear.scatter [tilespmem:s2], [sflag:$0xC], $0x2800, $0x38;
	[tilespmem:$0x14600] =	vst v63  }
0x1f1: {  	s23 =	sld [smem:$0x7F8]  }
0x1f2: {  	[hbm4b:s18+s3] =	stream.linear.scatter [tilespmem:s19], [sflag:$0xC], $0x2800, $0x38;
	[tilespmem:$0x14600] =	vst v63  }
0x1f3: {  	_ = 	snop  }
0x1f4: {  	[hbm4b:s23+s3] =	stream.linear.scatter [tilespmem:s12], [sflag:$0xC], $0x50, $0x38;
	[tilespmem:$0x14600] =	vst v63  }
0x1f5: {  	_ =	swait.ge [sflag:s4], $0x2800  }
0x1f6: {  	[sflag:s4] =	ssyncset.done $0x0  }
0x1f7: {  	[sflag:s4] =	ssyncadd.s32 $0xFFFFD800  }
0x1f8: {  	_ =	swait.ge [sflag:s4], $0x2800  }
0x1f9: {  	[sflag:s4] =	ssyncset.done $0x0  }
0x1fa: {  	[sflag:s4] =	ssyncadd.s32 $0xFFFFD800  }
0x1fb: {  	_ =	swait.ge [sflag:s4], $0x50  }
0x1fc: {  	[sflag:s4] =	ssyncset.done $0x0;
	s25 =	rddreg [dreg:$0x18]  }
0x1fd: {  	s26 =	rddreg [dreg:$0x19];
	[sflag:s4] =	ssyncadd.s32 $0xFFFFFFB0  }
0x1fe: {  	[hbm4b:s25+s3] =	stream.linear.scatter [tilespmem:s7], [sflag:$0x9], $0x2800, $0x38;
	[tilespmem:$0x14600] =	vst v63  }
0x1ff: {  	s29 =	sld [smem:$0x7F9]  }
0x200: {  	[hbm4b:s26+s3] =	stream.linear.scatter [tilespmem:s16], [sflag:$0x9], $0x2800, $0x38;
	[tilespmem:$0x14600] =	vst v63  }
0x201: {  	_ = 	snop  }
0x202: {  	[hbm4b:s29+s3] =	stream.linear.scatter [tilespmem:s9], [sflag:$0x9], $0x50, $0x38;
	[tilespmem:$0x14600] =	vst v63  }
0x203: {  	_ =	swait.ge [sflag:s5], $0x2800  }
0x204: {  	[sflag:s5] =	ssyncset.done $0x0  }
0x205: {  	[sflag:s5] =	ssyncadd.s32 $0xFFFFD800  }
0x206: {  	_ =	swait.ge [sflag:s5], $0x2800  }
0x207: {  	[sflag:s5] =	ssyncset.done $0x0  }
0x208: {  	[sflag:s5] =	ssyncadd.s32 $0xFFFFD800  }
0x209: {  	_ =	swait.ge [sflag:s5], $0x50  }
0x20a: {  	[sflag:s5] =	ssyncset.done $0x0  }
0x20b: {  	[sflag:s5] =	ssyncadd.s32 $0xFFFFFFB0  }
0x20c: {  	_ =	swait.ge [sflag:s14], $0x2800  }
0x20d: {  	[sflag:s14] =	ssyncset.done $0x0  }
0x20e: {  	[sflag:s14] =	ssyncadd.s32 $0xFFFFD800  }
0x20f: {  	_ =	swait.ge [sflag:s14], $0x2800  }
0x210: {  	[sflag:s14] =	ssyncset.done $0x0  }
0x211: {  	[sflag:s14] =	ssyncadd.s32 $0xFFFFD800  }
0x212: {  	_ =	swait.ge [sflag:s14], $0x50  }
0x213: {  	[sflag:s14] =	ssyncset.done $0x0  }
0x214: {  	[sflag:s14] =	ssyncadd.s32 $0xFFFFFFB0  }
0x215: {  	_ =	swait.ge [sflag:s20], $0x2800  }
0x216: {  	[sflag:s20] =	ssyncset.done $0x0  }
0x217: {  	[sflag:s20] =	ssyncadd.s32 $0xFFFFD800  }
0x218: {  	_ =	swait.ge [sflag:s20], $0x2800  }
0x219: {  	[sflag:s20] =	ssyncset.done $0x0  }
0x21a: {  	[sflag:s20] =	ssyncadd.s32 $0xFFFFD800  }
0x21b: {  	_ =	swait.ge [sflag:s20], $0x50  }
0x21c: {  	[sflag:s20] =	ssyncset.done $0x0  }
0x21d: {  	[sflag:s20] =	ssyncadd.s32 $0xFFFFFFB0  }
0x21e: {  	_ =	swait.ge [sflag:s24], $0x2800  }
0x21f: {  	[sflag:s24] =	ssyncset.done $0x0  }
0x220: {  	[sflag:s24] =	ssyncadd.s32 $0xFFFFD800  }
0x221: {  	_ =	swait.ge [sflag:s24], $0x2800  }
0x222: {  	[sflag:s24] =	ssyncset.done $0x0  }
0x223: {  	[sflag:s24] =	ssyncadd.s32 $0xFFFFD800  }
0x224: {  	_ =	swait.ge [sflag:s24], $0x50  }
0x225: {  	s30 =	sld [smem:$0x7F0]  }
0x226: {  	s31 =	sld [smem:$0x7FC];
	_ =	sdelay $0x1  }
0x227: {  	s2 =	sadd.s32 $0x1, s30  }
0x228: {  	p0 =	sne.s32 s2, s31  }
.Ltmp1:
0x229: {  	_ = 	snop;
	(pc) =	sbr.rel @p0 .LBB2_1-.Ltmp1, $4  }
0x22a: {  	s28 =	simm.s32 $0x380;
	s1 =	simm.s32 $0x80  }
0x22b: {  	s17 =	simm.s32 $0x300;
	s23 =	simm.s32 $0x2;
	s12 =	simm.s32 $0x3  }
0x22c: {  	s7 =	simm.s32 $0x280;
	s25 =	simm.s32 $0x4;
	[sflag:s24] =	ssyncset.done $0x0  }
0x22d: {  	s16 =	simm.s32 $0x100;
	s8 =	rddreg [dreg:$0xf];
	[sflag:s24] =	ssyncadd.s32 $0xFFFFFFB0  }
0x22e: {  	_ =	sfence.sel $0x180000  }
0x22f: {  	[bflag:$0x0] =	sbarrier.arrive $0xFFFF  }
0x230: {  	_ =	strace $0x90000047  }
0x231: {  	s0 =	stileid.u32;
	[bflag:$0x2] =	sbarrier.arrive $0xFFFF  }
0x232: {  	p0 =	sne.s32 s0, $0x0;
	s0 =	rddreg [dreg:$0x2]  }
0x233: {  	s0 =	sadd.s32 @!p0 $0x100000, s0  }
0x234: {  	[sflag:s0] =	ssyncadd.tile.s32 @!p0 $0x1;
	_ =	shalt  }
.Lfunc_end2:
_tile_overlayer_lowered:
.L_overlay_start_2:
0x235: {  	(tag) =	ssettag $0x2  }
0x236: {  	s0 =	rddreg [dreg:$0x0];
	s2 =	stileid.u32  }
0x237: {  	s1 =	rddreg [dreg:$0x1];
	p0 =	sne.s32 s2, $0x0  }
0x238: {  	s3 =	rddreg [dreg:$0x2];
	[bflag:$0x3] =	sbarrier.arrive $0xFFFF;
	s2 =	simm.s32 @!p0 $0x1C0D  }
0x239: {  	[timem:s3], [sflag:s2] =	dma.local @!p0 [hbm:s0], s1  }
0x23a: {  	s0 =	simm.s32 @!p0 $0xD  }
0x23b: {  	_ =	swait.ge @!p0 [sflag:s0], s1  }
0x23c: {  	s1 =	ssub.s32 @!p0 $0x0, s1;
	[sflag:s0] =	ssyncset.done @!p0 $0x0  }
0x23d: {  	[sflag:s0] =	ssyncadd.s32 @!p0 s1  }
0x23e: {  	[bflag:$0x3] =	sbarrier.arrive $0xFFFF  }
0x23f: {  	_ =	shalt  }

</sc_bundles>
